<compile_context>
chip_gen: v7x
topology: tpu7x:2x2x1
jax: 0.10.2.dev20260603
libtpu: 0.0.44.dev20260713+nightly
codegen_flags: <defaults>
</compile_context>

<pallas_src>
import functools

import jax
import jax.numpy as jnp
from jax import lax
from jax.experimental import pallas as pl
from jax.experimental.pallas import tpu as pltpu
from jax.experimental.pallas import tpu_sc as plsc

N = 10000
D = 128
H = 128
C = 3
G = 64

NC = 2
NS = 16
NW = NC * NS
CHUNK = 128
NP = 10112
ROWS_PER = NP // NS

@functools.cache
def _mesh():
  return plsc.VectorSubcoreMesh(
      core_axis_name="c", subcore_axis_name="s", num_cores=NC, num_subcores=NS)


def _wid():
  return lax.axis_index("s") * NC + lax.axis_index("c")


def _sc_degree_body(dst_hbm, out_hbm, idx_v, hist):
  TE = idx_v.shape[0]
  w = _wid()
  pltpu.sync_copy(dst_hbm.at[w], idx_v)
  zeros = jnp.zeros((16,), jnp.float32)
  ones = jnp.ones((16,), jnp.float32)

  def zbody(i, _):
    hist[pl.ds(i * 16, 16)] = zeros
    return ()

  lax.fori_loop(0, NP // 16, zbody, (), unroll=False)

  def body(i, _):
    idx = idx_v[pl.ds(i * 16, 16)]
    plsc.addupdate_scatter(hist, [idx], ones)
    return ()

  lax.fori_loop(0, TE // 16, body, (), unroll=False)
  pltpu.sync_copy(hist, out_hbm.at[w])


def _sc_degree(dst_flat, T):
  kern = pl.kernel(
      _sc_degree_body,
      out_type=jax.ShapeDtypeStruct((NW, NP), jnp.float32),
      mesh=_mesh(),
      scratch_types=[
          pltpu.VMEM((T * CHUNK,), jnp.int32),
          pltpu.VMEM((NP,), jnp.float32),
      ],
      compiler_params=pltpu.CompilerParams(needs_layout_passes=False),
  )
  return kern(dst_flat)


SLOW_FRAC = 0.395


def _sc_scatter(y, src_idx, dst_idx, ts):
  tf = src_idx.shape[1]

  def body_fn(y_hbm, src_hbm, dst_hbm, zeros_hbm, out_hbm,
              src_v, dst_v, buf, acc, sem):
    cid = lax.axis_index("c")
    sid = lax.axis_index("s")
    pltpu.sync_copy(src_hbm.at[_wid()], src_v)
    pltpu.sync_copy(dst_hbm.at[_wid()], dst_v)
    pltpu.sync_copy(zeros_hbm, acc.at[pl.ds(sid * ROWS_PER, ROWS_PER)])
    plsc.subcore_barrier()

    def body(j, _):
      pltpu.async_copy(y_hbm.at[src_v.at[j]], buf, sem).wait()
      pltpu.sync_copy(buf, acc.at[dst_v.at[j]], add=True)
      return ()

    lax.fori_loop(0, jnp.where(cid == 0, tf, ts), body, (), unroll=False)
    plsc.subcore_barrier()
    sl = pl.ds(sid * ROWS_PER, ROWS_PER)
    pltpu.sync_copy(acc.at[sl], out_hbm.at[cid].at[sl])

  kern = pl.kernel(
      body_fn,
      out_type=jax.ShapeDtypeStruct((NC, NP, H), jnp.float32),
      mesh=_mesh(),
      scratch_types=[
          pltpu.VMEM((tf, CHUNK), jnp.int32),
          pltpu.VMEM((tf, CHUNK), jnp.int32),
          pltpu.VMEM((CHUNK, H), jnp.float32),
          pltpu.VMEM_SHARED((NP, H), jnp.float32),
          pltpu.SemaphoreType.DMA,
      ],
  )
  zeros = jnp.zeros((ROWS_PER, H), jnp.float32)
  return kern(y, src_idx, dst_idx, zeros)


def _tc_prep_body(x_ref, w_ref, degp_ref, y_ref, dinv_ref):
  x = x_ref[...]
  mu = jnp.mean(x, axis=0, keepdims=True)
  xc = x - mu
  var = jnp.sum(xc * xc, axis=0, keepdims=True) / (N - 1)
  xn = xc / (jnp.sqrt(var) + 1e-6)
  xw = jnp.dot(xn, w_ref[...], preferred_element_type=jnp.float32)
  deg = lax.dot_general(
      degp_ref[...], jnp.ones((NW, 1), jnp.float32),
      (((0,), (0,)), ((), ())), preferred_element_type=jnp.float32) + 1.0
  rows = lax.broadcasted_iota(jnp.int32, (NP, 1), 0)
  dinv = jnp.where(rows < N, lax.rsqrt(deg), 0.0)
  dinv_ref[...] = dinv
  y_ref[pl.ds(0, N), :] = dinv[:N] * xw
  y_ref[pl.ds(N, NP - N), :] = jnp.zeros((NP - N, H), jnp.float32)


def _tc_prep(x, W1, degp):
  return pl.pallas_call(
      _tc_prep_body,
      out_shape=[
          jax.ShapeDtypeStruct((NP, H), jnp.float32),
          jax.ShapeDtypeStruct((NP, 1), jnp.float32),
      ],
  )(x, W1, degp)


def _tc_mid_body(s_ref, y_ref, dinv_ref, b_ref, w_ref, out_ref):
  s = s_ref[0] + s_ref[1] + y_ref[...]
  h = jnp.maximum(dinv_ref[...] * s + b_ref[...], 0.0)
  out_ref[...] = dinv_ref[...] * jnp.dot(
      h, w_ref[...], preferred_element_type=jnp.float32)


def _tc_mid(s, y, dinv, b, W):
  return pl.pallas_call(
      _tc_mid_body,
      out_shape=jax.ShapeDtypeStruct((NP, H), jnp.float32),
  )(s, y, dinv, b.reshape(1, H), W)


def _tc_final_body(s_ref, y_ref, dinv_ref, b_ref, batch_ref, wc_ref, bc_ref,
                   out_ref):
  s = s_ref[0] + s_ref[1] + y_ref[...]
  h = jnp.maximum(dinv_ref[...] * s + b_ref[...], 0.0)
  gids = lax.broadcasted_iota(jnp.int32, (G, NP), 0)
  m = (batch_ref[...] == gids).astype(jnp.float32)
  cnt = jnp.sum(m, axis=1, keepdims=True)
  pooled = jnp.dot(m, h, preferred_element_type=jnp.float32)
  pooled = pooled / jnp.maximum(cnt, 1.0)
  out_ref[...] = jnp.dot(
      pooled, wc_ref[...], preferred_element_type=jnp.float32) + bc_ref[...]


def _tc_final(s, y, dinv, b, batch, Wc, bc):
  return pl.pallas_call(
      _tc_final_body,
      out_shape=jax.ShapeDtypeStruct((G, C), jnp.float32),
  )(s, y, dinv, b.reshape(1, H), batch, Wc, bc.reshape(1, C))


def kernel(x, edge_index, batch, W1, b1, W2, b2, Wc, bc):
  E = edge_index.shape[1]
  T = -(-E // (NW * CHUNK))
  EP = NW * T * CHUNK
  pad = jnp.full((EP - E,), N, jnp.int32)
  dst_flat = jnp.concatenate([edge_index[1], pad]).reshape(NW, T * CHUNK)
  batch_p = jnp.concatenate(
      [batch, jnp.full((NP - N,), G, jnp.int32)]).reshape(1, NP)

  ntc = -(-E // CHUNK)
  per_pair = -(-ntc // NS)
  ts = max(1, int(per_pair * SLOW_FRAC))
  tf = per_pair - ts
  ncap = NS * (tf + ts)
  cpad = jnp.full((ncap * CHUNK - E,), N, jnp.int32)

  def layout(idx):
    c = jnp.concatenate([idx, cpad]).reshape(ncap, CHUNK)
    fast = c[:NS * tf].reshape(NS, 1, tf, CHUNK)
    slow = c[NS * tf:].reshape(NS, 1, ts, CHUNK)
    slow = jnp.concatenate(
        [slow, jnp.full((NS, 1, tf - ts, CHUNK), N, jnp.int32)], axis=2)
    return jnp.concatenate([fast, slow], axis=1).reshape(NW, tf, CHUNK)

  src_b = layout(edge_index[0])
  dst_b = layout(edge_index[1])

  degp = _sc_degree(dst_flat, T)
  y1, dinv = _tc_prep(x, W1, degp)
  s1 = _sc_scatter(y1, src_b, dst_b, ts)
  y2 = _tc_mid(s1, y1, dinv, b1, W2)
  s2 = _sc_scatter(y2, src_b, dst_b, ts)
  return _tc_final(s2, y2, dinv, b2, batch_p, Wc, bc)

# --- scband reference (transcript-rebuilt; emitter-appended) ---
"""Pipeline reference for scband-gait-graph-62122406969795 (READ-ONLY COPY).

The authoritative reference and input builder live on the scoring server;
editing this copy changes nothing except your own understanding.
"""

import jax, jax.numpy as jnp
import numpy as np

N = 10000
E = 320000
D = 128
H = 128
C = 3
G = 64


def _gcn_conv(x, edge_index, W, b):
    # PyG GCNConv with default add_self_loops=True and symmetric normalization
    loop = jnp.arange(N, dtype=edge_index.dtype)
    src = jnp.concatenate([edge_index[0], loop])
    dst = jnp.concatenate([edge_index[1], loop])
    deg = jax.ops.segment_sum(jnp.ones_like(src, dtype=x.dtype), dst, num_segments=N)
    dinv = jnp.where(deg > 0, deg ** -0.5, 0.0)
    norm = dinv[src] * dinv[dst]
    xw = x @ W
    out = jax.ops.segment_sum(xw[src] * norm[:, None], dst, num_segments=N)
    return out + b


def setup_inputs(seed: int = 0) -> dict:
    key = jax.random.key(seed)
    ks = jax.random.split(key, 10)
    x = jax.random.normal(ks[0], (N, D), dtype=jnp.float32)
    edge_index = jax.random.randint(ks[1], (2, E), 0, N, dtype=jnp.int32)
    batch = jnp.sort(jax.random.randint(ks[2], (N,), 0, G, dtype=jnp.int32))
    W1 = jax.random.normal(ks[3], (D, H), dtype=jnp.float32) * 0.05
    b1 = jnp.zeros((H,), dtype=jnp.float32)
    W2 = jax.random.normal(ks[4], (H, H), dtype=jnp.float32) * 0.05
    b2 = jnp.zeros((H,), dtype=jnp.float32)
    Wc = jax.random.normal(ks[5], (H, C), dtype=jnp.float32) * 0.05
    bc = jnp.zeros((C,), dtype=jnp.float32)
    return {"x": x, "edge_index": edge_index, "batch": batch,
            "W1": W1, "b1": b1, "W2": W2, "b2": b2, "Wc": Wc, "bc": bc}


def reference(x, edge_index, batch, W1, b1, W2, b2, Wc, bc):
    # input normalization (torch std is unbiased -> ddof=1)
    x = x - x.mean(axis=0)
    x = x / (x.std(axis=0, ddof=1) + 1e-06)
    x = jax.nn.relu(_gcn_conv(x, edge_index, W1, b1))
    x = jax.nn.relu(_gcn_conv(x, edge_index, W2, b2))
    # global_mean_pool over batch assignment
    ones = jnp.ones((x.shape[0],), dtype=x.dtype)
    cnt = jax.ops.segment_sum(ones, batch, num_segments=G)
    s = jax.ops.segment_sum(x, batch, num_segments=G)
    pooled = s / jnp.maximum(cnt, 1.0)[:, None]
    return pooled @ Wc + bc

if __name__ == "__main__":
    import jax
    _d = setup_inputs()
    print(jax.jit(kernel)(*tuple(_d.values())))

</pallas_src>

<mosaic_0001>
#map = affine_map<(d0, d1) -> (0, 0)>
module attributes {stable_mosaic.version = 14 : i64} {
  func.func @_sc_degree_body(%arg0: i32, %arg1: i32, %arg2: memref<32x10112xi32, #tpu.memory_space<hbm>>, %arg3: memref<32x10112xf32, #tpu.memory_space<hbm>>, %arg4: memref<10112xi32, #tpu.memory_space<vmem>>, %arg5: memref<10112xf32, #tpu.memory_space<vmem>>) attributes {dimension_semantics = [#tpu.dimension_semantics<core_parallel>, #tpu.dimension_semantics<subcore_parallel>], iteration_bounds = array<i64: 2, 16>, scalar_prefetch = 0 : i64, scratch_operands = 2 : i64, tpu.core_type = #tpu.core_type<sc_vector_subcore>, window_params = [{transform_indices = #map}, {transform_indices = #map}]} {
    %mul3A = arith.constant 2 : i32
    %mul3A_0 = arith.muli %arg1, %mul3A : i32
    %add3A = arith.addi %mul3A_0, %arg0 : i32
    "tpu.region"() ({
      %run_scoped3A = tpu.sem_alloc : memref<!tpu.dma_semaphore, #tpu.memory_space<semaphore_mem>>
      %dma_start3A = arith.constant 0 : i32
      %dma_start3A_13 = tpu.memref_slice %arg2[%add3A, %dma_start3A] : memref<32x10112xi32, #tpu.memory_space<hbm>> -> memref<1x10112xi32, #tpu.memory_space<hbm>>
      %dma_start3A_14 = tpu.memref_squeeze %dma_start3A_13 : memref<1x10112xi32, #tpu.memory_space<hbm>> -> memref<10112xi32, #tpu.memory_space<hbm>>
      %dma_start3A_15 = arith.constant 0 : i32
      %dma_start3A_16 = tpu.memref_slice %arg2[%add3A, %dma_start3A_15] : memref<32x10112xi32, #tpu.memory_space<hbm>> -> memref<1x10112xi32, #tpu.memory_space<hbm>>
      %dma_start3A_17 = tpu.memref_squeeze %dma_start3A_16 : memref<1x10112xi32, #tpu.memory_space<hbm>> -> memref<10112xi32, #tpu.memory_space<hbm>>
      tpu.enqueue_dma source(%dma_start3A_17 : memref<10112xi32, #tpu.memory_space<hbm>>) target(%arg4 : memref<10112xi32, #tpu.memory_space<vmem>>) target_semaphore(%run_scoped3A : memref<!tpu.dma_semaphore, #tpu.memory_space<semaphore_mem>>)
      %dma_wait3A = arith.constant 0 : i32
      %dma_wait3A_18 = tpu.memref_slice %arg2[%add3A, %dma_wait3A] : memref<32x10112xi32, #tpu.memory_space<hbm>> -> memref<1x10112xi32, #tpu.memory_space<hbm>>
      %dma_wait3A_19 = tpu.memref_squeeze %dma_wait3A_18 : memref<1x10112xi32, #tpu.memory_space<hbm>> -> memref<10112xi32, #tpu.memory_space<hbm>>
      %dma_wait3A_20 = arith.constant 0 : i32
      %dma_wait3A_21 = tpu.memref_slice %arg2[%add3A, %dma_wait3A_20] : memref<32x10112xi32, #tpu.memory_space<hbm>> -> memref<1x10112xi32, #tpu.memory_space<hbm>>
      %dma_wait3A_22 = tpu.memref_squeeze %dma_wait3A_21 : memref<1x10112xi32, #tpu.memory_space<hbm>> -> memref<10112xi32, #tpu.memory_space<hbm>>
      tpu.wait_dma2 semaphore(%run_scoped3A : memref<!tpu.dma_semaphore, #tpu.memory_space<semaphore_mem>>) src(%dma_wait3A_22 : memref<10112xi32, #tpu.memory_space<hbm>>) dst(%arg4 : memref<10112xi32, #tpu.memory_space<vmem>>)
      tpu.yield
    }) : () -> ()
    %broadcast_in_dim3A = arith.constant 0.000000e+00 : f32
    %broadcast_in_dim3A_1 = vector.broadcast %broadcast_in_dim3A : f32 to vector<16xf32>
    %broadcast_in_dim3A_2 = arith.constant 1.000000e+00 : f32
    %broadcast_in_dim3A_3 = vector.broadcast %broadcast_in_dim3A_2 : f32 to vector<16xf32>
    %scan3A = arith.constant 0 : i32
    %scan3A_4 = arith.constant 632 : i32
    %scan3A_5 = arith.addi %scan3A, %scan3A_4 : i32
    %scan3A_6 = arith.constant 1 : i32
    scf.for %scan3A_13 = %scan3A to %scan3A_5 step %scan3A_6  : i32 {
      %mul3A_14 = arith.constant 16 : i32
      %mul3A_15 = arith.muli %scan3A_13, %mul3A_14 : i32
      %swap3A = arith.index_cast %mul3A_15 : i32 to index
      %swap3A_16 = tpu.vector_load %arg5[%swap3A] {strides = array<i32>} : memref<10112xf32, #tpu.memory_space<vmem>>, vector<16xf32>,
      tpu.vector_store %arg5[%swap3A], %broadcast_in_dim3A_1 {strides = array<i32>} : memref<10112xf32, #tpu.memory_space<vmem>>, vector<16xf32>,
    }
    %scan3A_7 = arith.constant 632 : i32
    %scan3A_8 = arith.constant 0 : i32
    %scan3A_9 = arith.constant 632 : i32
    %scan3A_10 = arith.addi %scan3A_8, %scan3A_9 : i32
    %scan3A_11 = arith.constant 1 : i32
    scf.for %scan3A_13 = %scan3A_8 to %scan3A_10 step %scan3A_11  : i32 {
      %mul3A_14 = arith.constant 16 : i32
      %mul3A_15 = arith.muli %scan3A_13, %mul3A_14 : i32
      %get3A = arith.index_cast %mul3A_15 : i32 to index
      %get3A_16 = tpu.vector_load %arg4[%get3A] {strides = array<i32>} : memref<10112xi32, #tpu.memory_space<vmem>>, vector<16xi32>,
      tpu.vector_store_idx %arg5[%get3A_16], %broadcast_in_dim3A_3 {add = true} : memref<10112xf32, #tpu.memory_space<vmem>>[vector<16xi32>], vector<16xf32>,
    }
    %scan3A_12 = arith.constant 632 : i32
    "tpu.region"() ({
      %run_scoped3A = tpu.sem_alloc : memref<!tpu.dma_semaphore, #tpu.memory_space<semaphore_mem>>
      %dma_start3A = arith.constant 0 : i32
      %dma_start3A_13 = tpu.memref_slice %arg3[%add3A, %dma_start3A] : memref<32x10112xf32, #tpu.memory_space<hbm>> -> memref<1x10112xf32, #tpu.memory_space<hbm>>
      %dma_start3A_14 = tpu.memref_squeeze %dma_start3A_13 : memref<1x10112xf32, #tpu.memory_space<hbm>> -> memref<10112xf32, #tpu.memory_space<hbm>>
      %dma_start3A_15 = arith.constant 0 : i32
      %dma_start3A_16 = tpu.memref_slice %arg3[%add3A, %dma_start3A_15] : memref<32x10112xf32, #tpu.memory_space<hbm>> -> memref<1x10112xf32, #tpu.memory_space<hbm>>
      %dma_start3A_17 = tpu.memref_squeeze %dma_start3A_16 : memref<1x10112xf32, #tpu.memory_space<hbm>> -> memref<10112xf32, #tpu.memory_space<hbm>>
      tpu.enqueue_dma source(%arg5 : memref<10112xf32, #tpu.memory_space<vmem>>) target(%dma_start3A_17 : memref<10112xf32, #tpu.memory_space<hbm>>) target_semaphore(%run_scoped3A : memref<!tpu.dma_semaphore, #tpu.memory_space<semaphore_mem>>)
      %dma_wait3A = arith.constant 0 : i32
      %dma_wait3A_18 = tpu.memref_slice %arg3[%add3A, %dma_wait3A] : memref<32x10112xf32, #tpu.memory_space<hbm>> -> memref<1x10112xf32, #tpu.memory_space<hbm>>
      %dma_wait3A_19 = tpu.memref_squeeze %dma_wait3A_18 : memref<1x10112xf32, #tpu.memory_space<hbm>> -> memref<10112xf32, #tpu.memory_space<hbm>>
      %dma_wait3A_20 = arith.constant 0 : i32
      %dma_wait3A_21 = tpu.memref_slice %arg3[%add3A, %dma_wait3A_20] : memref<32x10112xf32, #tpu.memory_space<hbm>> -> memref<1x10112xf32, #tpu.memory_space<hbm>>
      %dma_wait3A_22 = tpu.memref_squeeze %dma_wait3A_21 : memref<1x10112xf32, #tpu.memory_space<hbm>> -> memref<10112xf32, #tpu.memory_space<hbm>>
      tpu.wait_dma2 semaphore(%run_scoped3A : memref<!tpu.dma_semaphore, #tpu.memory_space<semaphore_mem>>) src(%arg5 : memref<10112xf32, #tpu.memory_space<vmem>>) dst(%dma_wait3A_22 : memref<10112xf32, #tpu.memory_space<hbm>>)
      tpu.yield
    }) : () -> ()
    return
  }
}

#map = affine_map<(d0, d1) -> (0, 0)>
#map1 = affine_map<(d0, d1) -> (0, 0, 0)>
module attributes {stable_mosaic.version = 14 : i64} {
  func.func @body_fn(%arg0: i32, %arg1: i32, %arg2: memref<10112x128xf32, #tpu.memory_space<hbm>>, %arg3: memref<32x95x128xi32, #tpu.memory_space<hbm>>, %arg4: memref<32x95x128xi32, #tpu.memory_space<hbm>>, %arg5: memref<632x128xf32, #tpu.memory_space<hbm>>, %arg6: memref<2x10112x128xf32, #tpu.memory_space<hbm>>, %arg7: memref<95x128xi32, #tpu.memory_space<vmem>>, %arg8: memref<95x128xi32, #tpu.memory_space<vmem>>, %arg9: memref<128x128xf32, #tpu.memory_space<vmem>>, %arg10: memref<10112x128xf32, #tpu.memory_space<vmem_shared>>, %arg11: memref<!tpu.dma_semaphore, #tpu.memory_space<semaphore_mem>>) attributes {dimension_semantics = [#tpu.dimension_semantics<core_parallel>, #tpu.dimension_semantics<subcore_parallel>], iteration_bounds = array<i64: 2, 16>, scalar_prefetch = 0 : i64, scratch_operands = 5 : i64, tpu.core_type = #tpu.core_type<sc_vector_subcore>, window_params = [{transform_indices = #map}, {transform_indices = #map1}, {transform_indices = #map1}, {transform_indices = #map}, {transform_indices = #map1}]} {
    %mul3A = arith.constant 2 : i32
    %mul3A_0 = arith.muli %arg1, %mul3A : i32
    %add3A = arith.addi %mul3A_0, %arg0 : i32
    "tpu.region"() ({
      %run_scoped3A = tpu.sem_alloc : memref<!tpu.dma_semaphore, #tpu.memory_space<semaphore_mem>>
      %dma_start3A = arith.constant 0 : i32
      %dma_start3A_19 = arith.constant 0 : i32
      %dma_start3A_20 = tpu.memref_slice %arg3[%add3A, %dma_start3A, %dma_start3A_19] : memref<32x95x128xi32, #tpu.memory_space<hbm>> -> memref<1x95x128xi32, #tpu.memory_space<hbm>>
      %dma_start3A_21 = tpu.memref_squeeze %dma_start3A_20 : memref<1x95x128xi32, #tpu.memory_space<hbm>> -> memref<95x128xi32, #tpu.memory_space<hbm>>
      %dma_start3A_22 = arith.constant 0 : i32
      %dma_start3A_23 = arith.constant 0 : i32
      %dma_start3A_24 = tpu.memref_slice %arg3[%add3A, %dma_start3A_22, %dma_start3A_23] : memref<32x95x128xi32, #tpu.memory_space<hbm>> -> memref<1x95x128xi32, #tpu.memory_space<hbm>>
      %dma_start3A_25 = tpu.memref_squeeze %dma_start3A_24 : memref<1x95x128xi32, #tpu.memory_space<hbm>> -> memref<95x128xi32, #tpu.memory_space<hbm>>
      tpu.enqueue_dma source(%dma_start3A_25 : memref<95x128xi32, #tpu.memory_space<hbm>>) target(%arg7 : memref<95x128xi32, #tpu.memory_space<vmem>>) target_semaphore(%run_scoped3A : memref<!tpu.dma_semaphore, #tpu.memory_space<semaphore_mem>>)
      %dma_wait3A = arith.constant 0 : i32
      %dma_wait3A_26 = arith.constant 0 : i32
      %dma_wait3A_27 = tpu.memref_slice %arg3[%add3A, %dma_wait3A, %dma_wait3A_26] : memref<32x95x128xi32, #tpu.memory_space<hbm>> -> memref<1x95x128xi32, #tpu.memory_space<hbm>>
      %dma_wait3A_28 = tpu.memref_squeeze %dma_wait3A_27 : memref<1x95x128xi32, #tpu.memory_space<hbm>> -> memref<95x128xi32, #tpu.memory_space<hbm>>
      %dma_wait3A_29 = arith.constant 0 : i32
      %dma_wait3A_30 = arith.constant 0 : i32
      %dma_wait3A_31 = tpu.memref_slice %arg3[%add3A, %dma_wait3A_29, %dma_wait3A_30] : memref<32x95x128xi32, #tpu.memory_space<hbm>> -> memref<1x95x128xi32, #tpu.memory_space<hbm>>
      %dma_wait3A_32 = tpu.memref_squeeze %dma_wait3A_31 : memref<1x95x128xi32, #tpu.memory_space<hbm>> -> memref<95x128xi32, #tpu.memory_space<hbm>>
      tpu.wait_dma2 semaphore(%run_scoped3A : memref<!tpu.dma_semaphore, #tpu.memory_space<semaphore_mem>>) src(%dma_wait3A_32 : memref<95x128xi32, #tpu.memory_space<hbm>>) dst(%arg7 : memref<95x128xi32, #tpu.memory_space<vmem>>)
      tpu.yield
    }) : () -> ()
    %mul3A_1 = arith.constant 2 : i32
    %mul3A_2 = arith.muli %arg1, %mul3A_1 : i32
    %add3A_3 = arith.addi %mul3A_2, %arg0 : i32
    "tpu.region"() ({
      %run_scoped3A = tpu.sem_alloc : memref<!tpu.dma_semaphore, #tpu.memory_space<semaphore_mem>>
      %dma_start3A = arith.constant 0 : i32
      %dma_start3A_19 = arith.constant 0 : i32
      %dma_start3A_20 = tpu.memref_slice %arg4[%add3A_3, %dma_start3A, %dma_start3A_19] : memref<32x95x128xi32, #tpu.memory_space<hbm>> -> memref<1x95x128xi32, #tpu.memory_space<hbm>>
      %dma_start3A_21 = tpu.memref_squeeze %dma_start3A_20 : memref<1x95x128xi32, #tpu.memory_space<hbm>> -> memref<95x128xi32, #tpu.memory_space<hbm>>
      %dma_start3A_22 = arith.constant 0 : i32
      %dma_start3A_23 = arith.constant 0 : i32
      %dma_start3A_24 = tpu.memref_slice %arg4[%add3A_3, %dma_start3A_22, %dma_start3A_23] : memref<32x95x128xi32, #tpu.memory_space<hbm>> -> memref<1x95x128xi32, #tpu.memory_space<hbm>>
      %dma_start3A_25 = tpu.memref_squeeze %dma_start3A_24 : memref<1x95x128xi32, #tpu.memory_space<hbm>> -> memref<95x128xi32, #tpu.memory_space<hbm>>
      tpu.enqueue_dma source(%dma_start3A_25 : memref<95x128xi32, #tpu.memory_space<hbm>>) target(%arg8 : memref<95x128xi32, #tpu.memory_space<vmem>>) target_semaphore(%run_scoped3A : memref<!tpu.dma_semaphore, #tpu.memory_space<semaphore_mem>>)
      %dma_wait3A = arith.constant 0 : i32
      %dma_wait3A_26 = arith.constant 0 : i32
      %dma_wait3A_27 = tpu.memref_slice %arg4[%add3A_3, %dma_wait3A, %dma_wait3A_26] : memref<32x95x128xi32, #tpu.memory_space<hbm>> -> memref<1x95x128xi32, #tpu.memory_space<hbm>>
      %dma_wait3A_28 = tpu.memref_squeeze %dma_wait3A_27 : memref<1x95x128xi32, #tpu.memory_space<hbm>> -> memref<95x128xi32, #tpu.memory_space<hbm>>
      %dma_wait3A_29 = arith.constant 0 : i32
      %dma_wait3A_30 = arith.constant 0 : i32
      %dma_wait3A_31 = tpu.memref_slice %arg4[%add3A_3, %dma_wait3A_29, %dma_wait3A_30] : memref<32x95x128xi32, #tpu.memory_space<hbm>> -> memref<1x95x128xi32, #tpu.memory_space<hbm>>
      %dma_wait3A_32 = tpu.memref_squeeze %dma_wait3A_31 : memref<1x95x128xi32, #tpu.memory_space<hbm>> -> memref<95x128xi32, #tpu.memory_space<hbm>>
      tpu.wait_dma2 semaphore(%run_scoped3A : memref<!tpu.dma_semaphore, #tpu.memory_space<semaphore_mem>>) src(%dma_wait3A_32 : memref<95x128xi32, #tpu.memory_space<hbm>>) dst(%arg8 : memref<95x128xi32, #tpu.memory_space<vmem>>)
      tpu.yield
    }) : () -> ()
    %mul3A_4 = arith.constant 632 : i32
    %mul3A_5 = arith.muli %arg1, %mul3A_4 : i32
    "tpu.region"() ({
      %run_scoped3A = tpu.sem_alloc : memref<!tpu.dma_semaphore, #tpu.memory_space<semaphore_mem>>
      %dma_start3A = arith.constant 0 : i32
      %dma_start3A_19 = tpu.memref_slice %arg10[%mul3A_5, %dma_start3A] : memref<10112x128xf32, #tpu.memory_space<vmem_shared>> -> memref<632x128xf32, #tpu.memory_space<vmem_shared>>
      tpu.enqueue_dma source(%arg5 : memref<632x128xf32, #tpu.memory_space<hbm>>) target(%dma_start3A_19 : memref<632x128xf32, #tpu.memory_space<vmem_shared>>) target_semaphore(%run_scoped3A : memref<!tpu.dma_semaphore, #tpu.memory_space<semaphore_mem>>)
      %dma_wait3A = arith.constant 0 : i32
      %dma_wait3A_20 = tpu.memref_slice %arg10[%mul3A_5, %dma_wait3A] : memref<10112x128xf32, #tpu.memory_space<vmem_shared>> -> memref<632x128xf32, #tpu.memory_space<vmem_shared>>
      tpu.wait_dma2 semaphore(%run_scoped3A : memref<!tpu.dma_semaphore, #tpu.memory_space<semaphore_mem>>) src(%arg5 : memref<632x128xf32, #tpu.memory_space<hbm>>) dst(%dma_wait3A_20 : memref<632x128xf32, #tpu.memory_space<vmem_shared>>)
      tpu.yield
    }) : () -> ()
    %barrier3A = arith.constant 0 : index
    tpu.barrier barrier_id(%barrier3A)
    %eq3A = arith.constant 0 : i32
    %eq3A_6 = arith.cmpi eq, %arg0, %eq3A : i32
    %jit3A = arith.constant 95 : i32
    %jit3A_7 = arith.constant 62 : i32
    %select_n3A = arith.select %eq3A_6, %jit3A, %jit3A_7 : i32
    %while3A = arith.constant 0 : i32
    %while3A_8 = arith.subi %select_n3A, %while3A : i32
    %while3A_9 = arith.addi %while3A, %while3A_8 : i32
    %while3A_10 = arith.constant 1 : i32
    %while3A_11 = arith.divsi %while3A_8, %while3A_10 : i32
    %while3A_12 = arith.muli %while3A_11, %while3A_10 : i32
    %while3A_13 = arith.addi %while3A, %while3A_12 : i32
    %while3A_14 = arith.constant 1 : i32
    scf.for %while3A_19 = %while3A to %while3A_13 step %while3A_14  : i32 {
      %dma_start3A = arith.constant 0 : i32
      %dma_start3A_20 = tpu.memref_slice %arg7[%while3A_19, %dma_start3A] : memref<95x128xi32, #tpu.memory_space<vmem>> -> memref<1x128xi32, #tpu.memory_space<vmem>>
      %dma_start3A_21 = tpu.memref_squeeze %dma_start3A_20 : memref<1x128xi32, #tpu.memory_space<vmem>> -> memref<128xi32, #tpu.memory_space<vmem>>
      %dma_start3A_22 = arith.constant 0 : i32
      %dma_start3A_23 = arith.constant 0 : i32
      %dma_start3A_24 = tpu.memref_slice %arg2[%dma_start3A_22, %dma_start3A_23] : memref<10112x128xf32, #tpu.memory_space<hbm>> -> memref<10112x128xf32, #tpu.memory_space<hbm>>
      tpu.enqueue_indirect_dma source(%dma_start3A_24 : memref<10112x128xf32, #tpu.memory_space<hbm>>) target(%arg9 : memref<128x128xf32, #tpu.memory_space<vmem>>) offsets(%dma_start3A_21 : memref<128xi32, #tpu.memory_space<vmem>>) semaphore(%arg11 : memref<!tpu.dma_semaphore, #tpu.memory_space<semaphore_mem>>)
      %dma_wait3A = arith.constant 0 : i32
      %dma_wait3A_25 = tpu.memref_slice %arg7[%while3A_19, %dma_wait3A] : memref<95x128xi32, #tpu.memory_space<vmem>> -> memref<1x128xi32, #tpu.memory_space<vmem>>
      %dma_wait3A_26 = tpu.memref_squeeze %dma_wait3A_25 : memref<1x128xi32, #tpu.memory_space<vmem>> -> memref<128xi32, #tpu.memory_space<vmem>>
      %dma_wait3A_27 = arith.constant 0 : i32
      %dma_wait3A_28 = arith.constant 0 : i32
      %dma_wait3A_29 = tpu.memref_slice %arg2[%dma_wait3A_27, %dma_wait3A_28] : memref<10112x128xf32, #tpu.memory_space<hbm>> -> memref<10112x128xf32, #tpu.memory_space<hbm>>
      tpu.wait_indirect_dma semaphore(%arg11 : memref<!tpu.dma_semaphore, #tpu.memory_space<semaphore_mem>>) src(%dma_wait3A_29 : memref<10112x128xf32, #tpu.memory_space<hbm>>) dst(%arg9 : memref<128x128xf32, #tpu.memory_space<vmem>>)
      "tpu.region"() ({
        %run_scoped3A = tpu.sem_alloc : memref<!tpu.dma_semaphore, #tpu.memory_space<semaphore_mem>>
        %dma_start3A_30 = arith.constant 0 : i32
        %dma_start3A_31 = tpu.memref_slice %arg8[%while3A_19, %dma_start3A_30] : memref<95x128xi32, #tpu.memory_space<vmem>> -> memref<1x128xi32, #tpu.memory_space<vmem>>
        %dma_start3A_32 = tpu.memref_squeeze %dma_start3A_31 : memref<1x128xi32, #tpu.memory_space<vmem>> -> memref<128xi32, #tpu.memory_space<vmem>>
        %dma_start3A_33 = arith.constant 0 : i32
        %dma_start3A_34 = arith.constant 0 : i32
        %dma_start3A_35 = tpu.memref_slice %arg10[%dma_start3A_33, %dma_start3A_34] : memref<10112x128xf32, #tpu.memory_space<vmem_shared>> -> memref<10112x128xf32, #tpu.memory_space<vmem_shared>>
        tpu.enqueue_indirect_dma source(%arg9 : memref<128x128xf32, #tpu.memory_space<vmem>>) target(%dma_start3A_35 : memref<10112x128xf32, #tpu.memory_space<vmem_shared>>) offsets(%dma_start3A_32 : memref<128xi32, #tpu.memory_space<vmem>>) semaphore(%run_scoped3A : memref<!tpu.dma_semaphore, #tpu.memory_space<semaphore_mem>>) {add = true}
        %dma_wait3A_36 = arith.constant 0 : i32
        %dma_wait3A_37 = tpu.memref_slice %arg8[%while3A_19, %dma_wait3A_36] : memref<95x128xi32, #tpu.memory_space<vmem>> -> memref<1x128xi32, #tpu.memory_space<vmem>>
        %dma_wait3A_38 = tpu.memref_squeeze %dma_wait3A_37 : memref<1x128xi32, #tpu.memory_space<vmem>> -> memref<128xi32, #tpu.memory_space<vmem>>
        %dma_wait3A_39 = arith.constant 0 : i32
        %dma_wait3A_40 = arith.constant 0 : i32
        %dma_wait3A_41 = tpu.memref_slice %arg10[%dma_wait3A_39, %dma_wait3A_40] : memref<10112x128xf32, #tpu.memory_space<vmem_shared>> -> memref<10112x128xf32, #tpu.memory_space<vmem_shared>>
        tpu.wait_indirect_dma semaphore(%run_scoped3A : memref<!tpu.dma_semaphore, #tpu.memory_space<semaphore_mem>>) src(%arg9 : memref<128x128xf32, #tpu.memory_space<vmem>>) dst(%dma_wait3A_41 : memref<10112x128xf32, #tpu.memory_space<vmem_shared>>)
        tpu.yield
      }) : () -> ()
    }
    %while3A_15 = arith.constant 1 : i32
    scf.for %while3A_19 = %while3A_13 to %while3A_9 step %while3A_15  : i32 {
      %dma_start3A = arith.constant 0 : i32
      %dma_start3A_20 = tpu.memref_slice %arg7[%while3A_19, %dma_start3A] : memref<95x128xi32, #tpu.memory_space<vmem>> -> memref<1x128xi32, #tpu.memory_space<vmem>>
      %dma_start3A_21 = tpu.memref_squeeze %dma_start3A_20 : memref<1x128xi32, #tpu.memory_space<vmem>> -> memref<128xi32, #tpu.memory_space<vmem>>
      %dma_start3A_22 = arith.constant 0 : i32
      %dma_start3A_23 = arith.constant 0 : i32
      %dma_start3A_24 = tpu.memref_slice %arg2[%dma_start3A_22, %dma_start3A_23] : memref<10112x128xf32, #tpu.memory_space<hbm>> -> memref<10112x128xf32, #tpu.memory_space<hbm>>
      tpu.enqueue_indirect_dma source(%dma_start3A_24 : memref<10112x128xf32, #tpu.memory_space<hbm>>) target(%arg9 : memref<128x128xf32, #tpu.memory_space<vmem>>) offsets(%dma_start3A_21 : memref<128xi32, #tpu.memory_space<vmem>>) semaphore(%arg11 : memref<!tpu.dma_semaphore, #tpu.memory_space<semaphore_mem>>)
      %dma_wait3A = arith.constant 0 : i32
      %dma_wait3A_25 = tpu.memref_slice %arg7[%while3A_19, %dma_wait3A] : memref<95x128xi32, #tpu.memory_space<vmem>> -> memref<1x128xi32, #tpu.memory_space<vmem>>
      %dma_wait3A_26 = tpu.memref_squeeze %dma_wait3A_25 : memref<1x128xi32, #tpu.memory_space<vmem>> -> memref<128xi32, #tpu.memory_space<vmem>>
      %dma_wait3A_27 = arith.constant 0 : i32
      %dma_wait3A_28 = arith.constant 0 : i32
      %dma_wait3A_29 = tpu.memref_slice %arg2[%dma_wait3A_27, %dma_wait3A_28] : memref<10112x128xf32, #tpu.memory_space<hbm>> -> memref<10112x128xf32, #tpu.memory_space<hbm>>
      tpu.wait_indirect_dma semaphore(%arg11 : memref<!tpu.dma_semaphore, #tpu.memory_space<semaphore_mem>>) src(%dma_wait3A_29 : memref<10112x128xf32, #tpu.memory_space<hbm>>) dst(%arg9 : memref<128x128xf32, #tpu.memory_space<vmem>>)
      "tpu.region"() ({
        %run_scoped3A = tpu.sem_alloc : memref<!tpu.dma_semaphore, #tpu.memory_space<semaphore_mem>>
        %dma_start3A_30 = arith.constant 0 : i32
        %dma_start3A_31 = tpu.memref_slice %arg8[%while3A_19, %dma_start3A_30] : memref<95x128xi32, #tpu.memory_space<vmem>> -> memref<1x128xi32, #tpu.memory_space<vmem>>
        %dma_start3A_32 = tpu.memref_squeeze %dma_start3A_31 : memref<1x128xi32, #tpu.memory_space<vmem>> -> memref<128xi32, #tpu.memory_space<vmem>>
        %dma_start3A_33 = arith.constant 0 : i32
        %dma_start3A_34 = arith.constant 0 : i32
        %dma_start3A_35 = tpu.memref_slice %arg10[%dma_start3A_33, %dma_start3A_34] : memref<10112x128xf32, #tpu.memory_space<vmem_shared>> -> memref<10112x128xf32, #tpu.memory_space<vmem_shared>>
        tpu.enqueue_indirect_dma source(%arg9 : memref<128x128xf32, #tpu.memory_space<vmem>>) target(%dma_start3A_35 : memref<10112x128xf32, #tpu.memory_space<vmem_shared>>) offsets(%dma_start3A_32 : memref<128xi32, #tpu.memory_space<vmem>>) semaphore(%run_scoped3A : memref<!tpu.dma_semaphore, #tpu.memory_space<semaphore_mem>>) {add = true}
        %dma_wait3A_36 = arith.constant 0 : i32
        %dma_wait3A_37 = tpu.memref_slice %arg8[%while3A_19, %dma_wait3A_36] : memref<95x128xi32, #tpu.memory_space<vmem>> -> memref<1x128xi32, #tpu.memory_space<vmem>>
        %dma_wait3A_38 = tpu.memref_squeeze %dma_wait3A_37 : memref<1x128xi32, #tpu.memory_space<vmem>> -> memref<128xi32, #tpu.memory_space<vmem>>
        %dma_wait3A_39 = arith.constant 0 : i32
        %dma_wait3A_40 = arith.constant 0 : i32
        %dma_wait3A_41 = tpu.memref_slice %arg10[%dma_wait3A_39, %dma_wait3A_40] : memref<10112x128xf32, #tpu.memory_space<vmem_shared>> -> memref<10112x128xf32, #tpu.memory_space<vmem_shared>>
        tpu.wait_indirect_dma semaphore(%run_scoped3A : memref<!tpu.dma_semaphore, #tpu.memory_space<semaphore_mem>>) src(%arg9 : memref<128x128xf32, #tpu.memory_space<vmem>>) dst(%dma_wait3A_41 : memref<10112x128xf32, #tpu.memory_space<vmem_shared>>)
        tpu.yield
      }) : () -> ()
    }
    %barrier3A_16 = arith.constant 0 : index
    tpu.barrier barrier_id(%barrier3A_16)
    %mul3A_17 = arith.constant 632 : i32
    %mul3A_18 = arith.muli %arg1, %mul3A_17 : i32
    "tpu.region"() ({
      %run_scoped3A = tpu.sem_alloc : memref<!tpu.dma_semaphore, #tpu.memory_space<semaphore_mem>>
      %dma_start3A = arith.constant 0 : i32
      %dma_start3A_19 = arith.constant 0 : i32
      %dma_start3A_20 = tpu.memref_slice %arg6[%arg0, %dma_start3A, %dma_start3A_19] : memref<2x10112x128xf32, #tpu.memory_space<hbm>> -> memref<1x10112x128xf32, #tpu.memory_space<hbm>>
      %dma_start3A_21 = tpu.memref_squeeze %dma_start3A_20 : memref<1x10112x128xf32, #tpu.memory_space<hbm>> -> memref<10112x128xf32, #tpu.memory_space<hbm>>
      %dma_start3A_22 = arith.constant 0 : i32
      %dma_start3A_23 = tpu.memref_slice %dma_start3A_21[%mul3A_18, %dma_start3A_22] : memref<10112x128xf32, #tpu.memory_space<hbm>> -> memref<632x128xf32, #tpu.memory_space<hbm>>
      %dma_start3A_24 = arith.constant 0 : i32
      %dma_start3A_25 = tpu.memref_slice %arg10[%mul3A_18, %dma_start3A_24] : memref<10112x128xf32, #tpu.memory_space<vmem_shared>> -> memref<632x128xf32, #tpu.memory_space<vmem_shared>>
      tpu.enqueue_dma source(%dma_start3A_25 : memref<632x128xf32, #tpu.memory_space<vmem_shared>>) target(%dma_start3A_23 : memref<632x128xf32, #tpu.memory_space<hbm>>) target_semaphore(%run_scoped3A : memref<!tpu.dma_semaphore, #tpu.memory_space<semaphore_mem>>)
      %dma_wait3A = arith.constant 0 : i32
      %dma_wait3A_26 = arith.constant 0 : i32
      %dma_wait3A_27 = tpu.memref_slice %arg6[%arg0, %dma_wait3A, %dma_wait3A_26] : memref<2x10112x128xf32, #tpu.memory_space<hbm>> -> memref<1x10112x128xf32, #tpu.memory_space<hbm>>
      %dma_wait3A_28 = tpu.memref_squeeze %dma_wait3A_27 : memref<1x10112x128xf32, #tpu.memory_space<hbm>> -> memref<10112x128xf32, #tpu.memory_space<hbm>>
      %dma_wait3A_29 = arith.constant 0 : i32
      %dma_wait3A_30 = tpu.memref_slice %dma_wait3A_28[%mul3A_18, %dma_wait3A_29] : memref<10112x128xf32, #tpu.memory_space<hbm>> -> memref<632x128xf32, #tpu.memory_space<hbm>>
      %dma_wait3A_31 = arith.constant 0 : i32
      %dma_wait3A_32 = tpu.memref_slice %arg10[%mul3A_18, %dma_wait3A_31] : memref<10112x128xf32, #tpu.memory_space<vmem_shared>> -> memref<632x128xf32, #tpu.memory_space<vmem_shared>>
      tpu.wait_dma2 semaphore(%run_scoped3A : memref<!tpu.dma_semaphore, #tpu.memory_space<semaphore_mem>>) src(%dma_wait3A_32 : memref<632x128xf32, #tpu.memory_space<vmem_shared>>) dst(%dma_wait3A_30 : memref<632x128xf32, #tpu.memory_space<hbm>>)
      tpu.yield
    }) : () -> ()
    return
  }
}

#map = affine_map<(d0, d1) -> (0, 0)>
#map1 = affine_map<(d0, d1) -> (0, 0, 0)>
module attributes {stable_mosaic.version = 14 : i64} {
  func.func @body_fn(%arg0: i32, %arg1: i32, %arg2: memref<10112x128xf32, #tpu.memory_space<hbm>>, %arg3: memref<32x95x128xi32, #tpu.memory_space<hbm>>, %arg4: memref<32x95x128xi32, #tpu.memory_space<hbm>>, %arg5: memref<632x128xf32, #tpu.memory_space<hbm>>, %arg6: memref<2x10112x128xf32, #tpu.memory_space<hbm>>, %arg7: memref<95x128xi32, #tpu.memory_space<vmem>>, %arg8: memref<95x128xi32, #tpu.memory_space<vmem>>, %arg9: memref<128x128xf32, #tpu.memory_space<vmem>>, %arg10: memref<10112x128xf32, #tpu.memory_space<vmem_shared>>, %arg11: memref<!tpu.dma_semaphore, #tpu.memory_space<semaphore_mem>>) attributes {dimension_semantics = [#tpu.dimension_semantics<core_parallel>, #tpu.dimension_semantics<subcore_parallel>], iteration_bounds = array<i64: 2, 16>, scalar_prefetch = 0 : i64, scratch_operands = 5 : i64, tpu.core_type = #tpu.core_type<sc_vector_subcore>, window_params = [{transform_indices = #map}, {transform_indices = #map1}, {transform_indices = #map1}, {transform_indices = #map}, {transform_indices = #map1}]} {
    %mul3A = arith.constant 2 : i32
    %mul3A_0 = arith.muli %arg1, %mul3A : i32
    %add3A = arith.addi %mul3A_0, %arg0 : i32
    "tpu.region"() ({
      %run_scoped3A = tpu.sem_alloc : memref<!tpu.dma_semaphore, #tpu.memory_space<semaphore_mem>>
      %dma_start3A = arith.constant 0 : i32
      %dma_start3A_19 = arith.constant 0 : i32
      %dma_start3A_20 = tpu.memref_slice %arg3[%add3A, %dma_start3A, %dma_start3A_19] : memref<32x95x128xi32, #tpu.memory_space<hbm>> -> memref<1x95x128xi32, #tpu.memory_space<hbm>>
      %dma_start3A_21 = tpu.memref_squeeze %dma_start3A_20 : memref<1x95x128xi32, #tpu.memory_space<hbm>> -> memref<95x128xi32, #tpu.memory_space<hbm>>
      %dma_start3A_22 = arith.constant 0 : i32
      %dma_start3A_23 = arith.constant 0 : i32
      %dma_start3A_24 = tpu.memref_slice %arg3[%add3A, %dma_start3A_22, %dma_start3A_23] : memref<32x95x128xi32, #tpu.memory_space<hbm>> -> memref<1x95x128xi32, #tpu.memory_space<hbm>>
      %dma_start3A_25 = tpu.memref_squeeze %dma_start3A_24 : memref<1x95x128xi32, #tpu.memory_space<hbm>> -> memref<95x128xi32, #tpu.memory_space<hbm>>
      tpu.enqueue_dma source(%dma_start3A_25 : memref<95x128xi32, #tpu.memory_space<hbm>>) target(%arg7 : memref<95x128xi32, #tpu.memory_space<vmem>>) target_semaphore(%run_scoped3A : memref<!tpu.dma_semaphore, #tpu.memory_space<semaphore_mem>>)
      %dma_wait3A = arith.constant 0 : i32
      %dma_wait3A_26 = arith.constant 0 : i32
      %dma_wait3A_27 = tpu.memref_slice %arg3[%add3A, %dma_wait3A, %dma_wait3A_26] : memref<32x95x128xi32, #tpu.memory_space<hbm>> -> memref<1x95x128xi32, #tpu.memory_space<hbm>>
      %dma_wait3A_28 = tpu.memref_squeeze %dma_wait3A_27 : memref<1x95x128xi32, #tpu.memory_space<hbm>> -> memref<95x128xi32, #tpu.memory_space<hbm>>
      %dma_wait3A_29 = arith.constant 0 : i32
      %dma_wait3A_30 = arith.constant 0 : i32
      %dma_wait3A_31 = tpu.memref_slice %arg3[%add3A, %dma_wait3A_29, %dma_wait3A_30] : memref<32x95x128xi32, #tpu.memory_space<hbm>> -> memref<1x95x128xi32, #tpu.memory_space<hbm>>
      %dma_wait3A_32 = tpu.memref_squeeze %dma_wait3A_31 : memref<1x95x128xi32, #tpu.memory_space<hbm>> -> memref<95x128xi32, #tpu.memory_space<hbm>>
      tpu.wait_dma2 semaphore(%run_scoped3A : memref<!tpu.dma_semaphore, #tpu.memory_space<semaphore_mem>>) src(%dma_wait3A_32 : memref<95x128xi32, #tpu.memory_space<hbm>>) dst(%arg7 : memref<95x128xi32, #tpu.memory_space<vmem>>)
      tpu.yield
    }) : () -> ()
    %mul3A_1 = arith.constant 2 : i32
    %mul3A_2 = arith.muli %arg1, %mul3A_1 : i32
    %add3A_3 = arith.addi %mul3A_2, %arg0 : i32
    "tpu.region"() ({
      %run_scoped3A = tpu.sem_alloc : memref<!tpu.dma_semaphore, #tpu.memory_space<semaphore_mem>>
      %dma_start3A = arith.constant 0 : i32
      %dma_start3A_19 = arith.constant 0 : i32
      %dma_start3A_20 = tpu.memref_slice %arg4[%add3A_3, %dma_start3A, %dma_start3A_19] : memref<32x95x128xi32, #tpu.memory_space<hbm>> -> memref<1x95x128xi32, #tpu.memory_space<hbm>>
      %dma_start3A_21 = tpu.memref_squeeze %dma_start3A_20 : memref<1x95x128xi32, #tpu.memory_space<hbm>> -> memref<95x128xi32, #tpu.memory_space<hbm>>
      %dma_start3A_22 = arith.constant 0 : i32
      %dma_start3A_23 = arith.constant 0 : i32
      %dma_start3A_24 = tpu.memref_slice %arg4[%add3A_3, %dma_start3A_22, %dma_start3A_23] : memref<32x95x128xi32, #tpu.memory_space<hbm>> -> memref<1x95x128xi32, #tpu.memory_space<hbm>>
      %dma_start3A_25 = tpu.memref_squeeze %dma_start3A_24 : memref<1x95x128xi32, #tpu.memory_space<hbm>> -> memref<95x128xi32, #tpu.memory_space<hbm>>
      tpu.enqueue_dma source(%dma_start3A_25 : memref<95x128xi32, #tpu.memory_space<hbm>>) target(%arg8 : memref<95x128xi32, #tpu.memory_space<vmem>>) target_semaphore(%run_scoped3A : memref<!tpu.dma_semaphore, #tpu.memory_space<semaphore_mem>>)
      %dma_wait3A = arith.constant 0 : i32
      %dma_wait3A_26 = arith.constant 0 : i32
      %dma_wait3A_27 = tpu.memref_slice %arg4[%add3A_3, %dma_wait3A, %dma_wait3A_26] : memref<32x95x128xi32, #tpu.memory_space<hbm>> -> memref<1x95x128xi32, #tpu.memory_space<hbm>>
      %dma_wait3A_28 = tpu.memref_squeeze %dma_wait3A_27 : memref<1x95x128xi32, #tpu.memory_space<hbm>> -> memref<95x128xi32, #tpu.memory_space<hbm>>
      %dma_wait3A_29 = arith.constant 0 : i32
      %dma_wait3A_30 = arith.constant 0 : i32
      %dma_wait3A_31 = tpu.memref_slice %arg4[%add3A_3, %dma_wait3A_29, %dma_wait3A_30] : memref<32x95x128xi32, #tpu.memory_space<hbm>> -> memref<1x95x128xi32, #tpu.memory_space<hbm>>
      %dma_wait3A_32 = tpu.memref_squeeze %dma_wait3A_31 : memref<1x95x128xi32, #tpu.memory_space<hbm>> -> memref<95x128xi32, #tpu.memory_space<hbm>>
      tpu.wait_dma2 semaphore(%run_scoped3A : memref<!tpu.dma_semaphore, #tpu.memory_space<semaphore_mem>>) src(%dma_wait3A_32 : memref<95x128xi32, #tpu.memory_space<hbm>>) dst(%arg8 : memref<95x128xi32, #tpu.memory_space<vmem>>)
      tpu.yield
    }) : () -> ()
    %mul3A_4 = arith.constant 632 : i32
    %mul3A_5 = arith.muli %arg1, %mul3A_4 : i32
    "tpu.region"() ({
      %run_scoped3A = tpu.sem_alloc : memref<!tpu.dma_semaphore, #tpu.memory_space<semaphore_mem>>
      %dma_start3A = arith.constant 0 : i32
      %dma_start3A_19 = tpu.memref_slice %arg10[%mul3A_5, %dma_start3A] : memref<10112x128xf32, #tpu.memory_space<vmem_shared>> -> memref<632x128xf32, #tpu.memory_space<vmem_shared>>
      tpu.enqueue_dma source(%arg5 : memref<632x128xf32, #tpu.memory_space<hbm>>) target(%dma_start3A_19 : memref<632x128xf32, #tpu.memory_space<vmem_shared>>) target_semaphore(%run_scoped3A : memref<!tpu.dma_semaphore, #tpu.memory_space<semaphore_mem>>)
      %dma_wait3A = arith.constant 0 : i32
      %dma_wait3A_20 = tpu.memref_slice %arg10[%mul3A_5, %dma_wait3A] : memref<10112x128xf32, #tpu.memory_space<vmem_shared>> -> memref<632x128xf32, #tpu.memory_space<vmem_shared>>
      tpu.wait_dma2 semaphore(%run_scoped3A : memref<!tpu.dma_semaphore, #tpu.memory_space<semaphore_mem>>) src(%arg5 : memref<632x128xf32, #tpu.memory_space<hbm>>) dst(%dma_wait3A_20 : memref<632x128xf32, #tpu.memory_space<vmem_shared>>)
      tpu.yield
    }) : () -> ()
    %barrier3A = arith.constant 0 : index
    tpu.barrier barrier_id(%barrier3A)
    %eq3A = arith.constant 0 : i32
    %eq3A_6 = arith.cmpi eq, %arg0, %eq3A : i32
    %jit3A = arith.constant 95 : i32
    %jit3A_7 = arith.constant 62 : i32
    %select_n3A = arith.select %eq3A_6, %jit3A, %jit3A_7 : i32
    %while3A = arith.constant 0 : i32
    %while3A_8 = arith.subi %select_n3A, %while3A : i32
    %while3A_9 = arith.addi %while3A, %while3A_8 : i32
    %while3A_10 = arith.constant 1 : i32
    %while3A_11 = arith.divsi %while3A_8, %while3A_10 : i32
    %while3A_12 = arith.muli %while3A_11, %while3A_10 : i32
    %while3A_13 = arith.addi %while3A, %while3A_12 : i32
    %while3A_14 = arith.constant 1 : i32
    scf.for %while3A_19 = %while3A to %while3A_13 step %while3A_14  : i32 {
      %dma_start3A = arith.constant 0 : i32
      %dma_start3A_20 = tpu.memref_slice %arg7[%while3A_19, %dma_start3A] : memref<95x128xi32, #tpu.memory_space<vmem>> -> memref<1x128xi32, #tpu.memory_space<vmem>>
      %dma_start3A_21 = tpu.memref_squeeze %dma_start3A_20 : memref<1x128xi32, #tpu.memory_space<vmem>> -> memref<128xi32, #tpu.memory_space<vmem>>
      %dma_start3A_22 = arith.constant 0 : i32
      %dma_start3A_23 = arith.constant 0 : i32
      %dma_start3A_24 = tpu.memref_slice %arg2[%dma_start3A_22, %dma_start3A_23] : memref<10112x128xf32, #tpu.memory_space<hbm>> -> memref<10112x128xf32, #tpu.memory_space<hbm>>
      tpu.enqueue_indirect_dma source(%dma_start3A_24 : memref<10112x128xf32, #tpu.memory_space<hbm>>) target(%arg9 : memref<128x128xf32, #tpu.memory_space<vmem>>) offsets(%dma_start3A_21 : memref<128xi32, #tpu.memory_space<vmem>>) semaphore(%arg11 : memref<!tpu.dma_semaphore, #tpu.memory_space<semaphore_mem>>)
      %dma_wait3A = arith.constant 0 : i32
      %dma_wait3A_25 = tpu.memref_slice %arg7[%while3A_19, %dma_wait3A] : memref<95x128xi32, #tpu.memory_space<vmem>> -> memref<1x128xi32, #tpu.memory_space<vmem>>
      %dma_wait3A_26 = tpu.memref_squeeze %dma_wait3A_25 : memref<1x128xi32, #tpu.memory_space<vmem>> -> memref<128xi32, #tpu.memory_space<vmem>>
      %dma_wait3A_27 = arith.constant 0 : i32
      %dma_wait3A_28 = arith.constant 0 : i32
      %dma_wait3A_29 = tpu.memref_slice %arg2[%dma_wait3A_27, %dma_wait3A_28] : memref<10112x128xf32, #tpu.memory_space<hbm>> -> memref<10112x128xf32, #tpu.memory_space<hbm>>
      tpu.wait_indirect_dma semaphore(%arg11 : memref<!tpu.dma_semaphore, #tpu.memory_space<semaphore_mem>>) src(%dma_wait3A_29 : memref<10112x128xf32, #tpu.memory_space<hbm>>) dst(%arg9 : memref<128x128xf32, #tpu.memory_space<vmem>>)
      "tpu.region"() ({
        %run_scoped3A = tpu.sem_alloc : memref<!tpu.dma_semaphore, #tpu.memory_space<semaphore_mem>>
        %dma_start3A_30 = arith.constant 0 : i32
        %dma_start3A_31 = tpu.memref_slice %arg8[%while3A_19, %dma_start3A_30] : memref<95x128xi32, #tpu.memory_space<vmem>> -> memref<1x128xi32, #tpu.memory_space<vmem>>
        %dma_start3A_32 = tpu.memref_squeeze %dma_start3A_31 : memref<1x128xi32, #tpu.memory_space<vmem>> -> memref<128xi32, #tpu.memory_space<vmem>>
        %dma_start3A_33 = arith.constant 0 : i32
        %dma_start3A_34 = arith.constant 0 : i32
        %dma_start3A_35 = tpu.memref_slice %arg10[%dma_start3A_33, %dma_start3A_34] : memref<10112x128xf32, #tpu.memory_space<vmem_shared>> -> memref<10112x128xf32, #tpu.memory_space<vmem_shared>>
        tpu.enqueue_indirect_dma source(%arg9 : memref<128x128xf32, #tpu.memory_space<vmem>>) target(%dma_start3A_35 : memref<10112x128xf32, #tpu.memory_space<vmem_shared>>) offsets(%dma_start3A_32 : memref<128xi32, #tpu.memory_space<vmem>>) semaphore(%run_scoped3A : memref<!tpu.dma_semaphore, #tpu.memory_space<semaphore_mem>>) {add = true}
        %dma_wait3A_36 = arith.constant 0 : i32
        %dma_wait3A_37 = tpu.memref_slice %arg8[%while3A_19, %dma_wait3A_36] : memref<95x128xi32, #tpu.memory_space<vmem>> -> memref<1x128xi32, #tpu.memory_space<vmem>>
        %dma_wait3A_38 = tpu.memref_squeeze %dma_wait3A_37 : memref<1x128xi32, #tpu.memory_space<vmem>> -> memref<128xi32, #tpu.memory_space<vmem>>
        %dma_wait3A_39 = arith.constant 0 : i32
        %dma_wait3A_40 = arith.constant 0 : i32
        %dma_wait3A_41 = tpu.memref_slice %arg10[%dma_wait3A_39, %dma_wait3A_40] : memref<10112x128xf32, #tpu.memory_space<vmem_shared>> -> memref<10112x128xf32, #tpu.memory_space<vmem_shared>>
        tpu.wait_indirect_dma semaphore(%run_scoped3A : memref<!tpu.dma_semaphore, #tpu.memory_space<semaphore_mem>>) src(%arg9 : memref<128x128xf32, #tpu.memory_space<vmem>>) dst(%dma_wait3A_41 : memref<10112x128xf32, #tpu.memory_space<vmem_shared>>)
        tpu.yield
      }) : () -> ()
    }
    %while3A_15 = arith.constant 1 : i32
    scf.for %while3A_19 = %while3A_13 to %while3A_9 step %while3A_15  : i32 {
      %dma_start3A = arith.constant 0 : i32
      %dma_start3A_20 = tpu.memref_slice %arg7[%while3A_19, %dma_start3A] : memref<95x128xi32, #tpu.memory_space<vmem>> -> memref<1x128xi32, #tpu.memory_space<vmem>>
      %dma_start3A_21 = tpu.memref_squeeze %dma_start3A_20 : memref<1x128xi32, #tpu.memory_space<vmem>> -> memref<128xi32, #tpu.memory_space<vmem>>
      %dma_start3A_22 = arith.constant 0 : i32
      %dma_start3A_23 = arith.constant 0 : i32
      %dma_start3A_24 = tpu.memref_slice %arg2[%dma_start3A_22, %dma_start3A_23] : memref<10112x128xf32, #tpu.memory_space<hbm>> -> memref<10112x128xf32, #tpu.memory_space<hbm>>
      tpu.enqueue_indirect_dma source(%dma_start3A_24 : memref<10112x128xf32, #tpu.memory_space<hbm>>) target(%arg9 : memref<128x128xf32, #tpu.memory_space<vmem>>) offsets(%dma_start3A_21 : memref<128xi32, #tpu.memory_space<vmem>>) semaphore(%arg11 : memref<!tpu.dma_semaphore, #tpu.memory_space<semaphore_mem>>)
      %dma_wait3A = arith.constant 0 : i32
      %dma_wait3A_25 = tpu.memref_slice %arg7[%while3A_19, %dma_wait3A] : memref<95x128xi32, #tpu.memory_space<vmem>> -> memref<1x128xi32, #tpu.memory_space<vmem>>
      %dma_wait3A_26 = tpu.memref_squeeze %dma_wait3A_25 : memref<1x128xi32, #tpu.memory_space<vmem>> -> memref<128xi32, #tpu.memory_space<vmem>>
      %dma_wait3A_27 = arith.constant 0 : i32
      %dma_wait3A_28 = arith.constant 0 : i32
      %dma_wait3A_29 = tpu.memref_slice %arg2[%dma_wait3A_27, %dma_wait3A_28] : memref<10112x128xf32, #tpu.memory_space<hbm>> -> memref<10112x128xf32, #tpu.memory_space<hbm>>
      tpu.wait_indirect_dma semaphore(%arg11 : memref<!tpu.dma_semaphore, #tpu.memory_space<semaphore_mem>>) src(%dma_wait3A_29 : memref<10112x128xf32, #tpu.memory_space<hbm>>) dst(%arg9 : memref<128x128xf32, #tpu.memory_space<vmem>>)
      "tpu.region"() ({
        %run_scoped3A = tpu.sem_alloc : memref<!tpu.dma_semaphore, #tpu.memory_space<semaphore_mem>>
        %dma_start3A_30 = arith.constant 0 : i32
        %dma_start3A_31 = tpu.memref_slice %arg8[%while3A_19, %dma_start3A_30] : memref<95x128xi32, #tpu.memory_space<vmem>> -> memref<1x128xi32, #tpu.memory_space<vmem>>
        %dma_start3A_32 = tpu.memref_squeeze %dma_start3A_31 : memref<1x128xi32, #tpu.memory_space<vmem>> -> memref<128xi32, #tpu.memory_space<vmem>>
        %dma_start3A_33 = arith.constant 0 : i32
        %dma_start3A_34 = arith.constant 0 : i32
        %dma_start3A_35 = tpu.memref_slice %arg10[%dma_start3A_33, %dma_start3A_34] : memref<10112x128xf32, #tpu.memory_space<vmem_shared>> -> memref<10112x128xf32, #tpu.memory_space<vmem_shared>>
        tpu.enqueue_indirect_dma source(%arg9 : memref<128x128xf32, #tpu.memory_space<vmem>>) target(%dma_start3A_35 : memref<10112x128xf32, #tpu.memory_space<vmem_shared>>) offsets(%dma_start3A_32 : memref<128xi32, #tpu.memory_space<vmem>>) semaphore(%run_scoped3A : memref<!tpu.dma_semaphore, #tpu.memory_space<semaphore_mem>>) {add = true}
        %dma_wait3A_36 = arith.constant 0 : i32
        %dma_wait3A_37 = tpu.memref_slice %arg8[%while3A_19, %dma_wait3A_36] : memref<95x128xi32, #tpu.memory_space<vmem>> -> memref<1x128xi32, #tpu.memory_space<vmem>>
        %dma_wait3A_38 = tpu.memref_squeeze %dma_wait3A_37 : memref<1x128xi32, #tpu.memory_space<vmem>> -> memref<128xi32, #tpu.memory_space<vmem>>
        %dma_wait3A_39 = arith.constant 0 : i32
        %dma_wait3A_40 = arith.constant 0 : i32
        %dma_wait3A_41 = tpu.memref_slice %arg10[%dma_wait3A_39, %dma_wait3A_40] : memref<10112x128xf32, #tpu.memory_space<vmem_shared>> -> memref<10112x128xf32, #tpu.memory_space<vmem_shared>>
        tpu.wait_indirect_dma semaphore(%run_scoped3A : memref<!tpu.dma_semaphore, #tpu.memory_space<semaphore_mem>>) src(%arg9 : memref<128x128xf32, #tpu.memory_space<vmem>>) dst(%dma_wait3A_41 : memref<10112x128xf32, #tpu.memory_space<vmem_shared>>)
        tpu.yield
      }) : () -> ()
    }
    %barrier3A_16 = arith.constant 0 : index
    tpu.barrier barrier_id(%barrier3A_16)
    %mul3A_17 = arith.constant 632 : i32
    %mul3A_18 = arith.muli %arg1, %mul3A_17 : i32
    "tpu.region"() ({
      %run_scoped3A = tpu.sem_alloc : memref<!tpu.dma_semaphore, #tpu.memory_space<semaphore_mem>>
      %dma_start3A = arith.constant 0 : i32
      %dma_start3A_19 = arith.constant 0 : i32
      %dma_start3A_20 = tpu.memref_slice %arg6[%arg0, %dma_start3A, %dma_start3A_19] : memref<2x10112x128xf32, #tpu.memory_space<hbm>> -> memref<1x10112x128xf32, #tpu.memory_space<hbm>>
      %dma_start3A_21 = tpu.memref_squeeze %dma_start3A_20 : memref<1x10112x128xf32, #tpu.memory_space<hbm>> -> memref<10112x128xf32, #tpu.memory_space<hbm>>
      %dma_start3A_22 = arith.constant 0 : i32
      %dma_start3A_23 = tpu.memref_slice %dma_start3A_21[%mul3A_18, %dma_start3A_22] : memref<10112x128xf32, #tpu.memory_space<hbm>> -> memref<632x128xf32, #tpu.memory_space<hbm>>
      %dma_start3A_24 = arith.constant 0 : i32
      %dma_start3A_25 = tpu.memref_slice %arg10[%mul3A_18, %dma_start3A_24] : memref<10112x128xf32, #tpu.memory_space<vmem_shared>> -> memref<632x128xf32, #tpu.memory_space<vmem_shared>>
      tpu.enqueue_dma source(%dma_start3A_25 : memref<632x128xf32, #tpu.memory_space<vmem_shared>>) target(%dma_start3A_23 : memref<632x128xf32, #tpu.memory_space<hbm>>) target_semaphore(%run_scoped3A : memref<!tpu.dma_semaphore, #tpu.memory_space<semaphore_mem>>)
      %dma_wait3A = arith.constant 0 : i32
      %dma_wait3A_26 = arith.constant 0 : i32
      %dma_wait3A_27 = tpu.memref_slice %arg6[%arg0, %dma_wait3A, %dma_wait3A_26] : memref<2x10112x128xf32, #tpu.memory_space<hbm>> -> memref<1x10112x128xf32, #tpu.memory_space<hbm>>
      %dma_wait3A_28 = tpu.memref_squeeze %dma_wait3A_27 : memref<1x10112x128xf32, #tpu.memory_space<hbm>> -> memref<10112x128xf32, #tpu.memory_space<hbm>>
      %dma_wait3A_29 = arith.constant 0 : i32
      %dma_wait3A_30 = tpu.memref_slice %dma_wait3A_28[%mul3A_18, %dma_wait3A_29] : memref<10112x128xf32, #tpu.memory_space<hbm>> -> memref<632x128xf32, #tpu.memory_space<hbm>>
      %dma_wait3A_31 = arith.constant 0 : i32
      %dma_wait3A_32 = tpu.memref_slice %arg10[%mul3A_18, %dma_wait3A_31] : memref<10112x128xf32, #tpu.memory_space<vmem_shared>> -> memref<632x128xf32, #tpu.memory_space<vmem_shared>>
      tpu.wait_dma2 semaphore(%run_scoped3A : memref<!tpu.dma_semaphore, #tpu.memory_space<semaphore_mem>>) src(%dma_wait3A_32 : memref<632x128xf32, #tpu.memory_space<vmem_shared>>) dst(%dma_wait3A_30 : memref<632x128xf32, #tpu.memory_space<hbm>>)
      tpu.yield
    }) : () -> ()
    return
  }
}

module attributes {stable_mosaic.version = 14 : i64} {
  func.func @_tc_prep_body(%arg0: memref<10000x128xf32, #tpu.memory_space<vmem>>, %arg1: memref<128x128xf32, #tpu.memory_space<vmem>>, %arg2: memref<32x10112xf32, #tpu.memory_space<vmem>>, %arg3: memref<10112x128xf32, #tpu.memory_space<vmem>>, %arg4: memref<10112x1xf32, #tpu.memory_space<vmem>>) attributes {dimension_semantics = [], scalar_prefetch = 0 : i64, scratch_operands = 0 : i64, tpu.core_type = #tpu.core_type<tc>} {
    %get3A = arith.constant 0 : index
    %get3A_0 = arith.constant 0 : index
    %get3A_1 = vector.load %arg0[%get3A, %get3A_0] : memref<10000x128xf32, #tpu.memory_space<vmem>>, vector<10000x128xf32>
    %reduce_sum3A = arith.constant dense<0.000000e+00> : vector<128xf32>
    %reduce_sum3A_2 = vector.multi_reduction <add>, %get3A_1, %reduce_sum3A [0] : vector<10000x128xf32> to vector<128xf32>
    %broadcast_in_dim3A = vector.shape_cast %reduce_sum3A_2 : vector<128xf32> to vector<1x128xf32>
    %div3A = arith.constant 1.000000e+04 : f32
    %div3A_3 = vector.broadcast %div3A : f32 to vector<1x128xf32>
    %div3A_4 = arith.divf %broadcast_in_dim3A, %div3A_3 : vector<1x128xf32>
    %sub3A = vector.broadcast %div3A_4 : vector<1x128xf32> to vector<10000x128xf32>
    %sub3A_5 = arith.subf %get3A_1, %sub3A : vector<10000x128xf32>
    %mul3A = arith.mulf %sub3A_5, %sub3A_5 : vector<10000x128xf32>
    %reduce_sum3A_6 = arith.constant dense<0.000000e+00> : vector<128xf32>
    %reduce_sum3A_7 = vector.multi_reduction <add>, %mul3A, %reduce_sum3A_6 [0] : vector<10000x128xf32> to vector<128xf32>
    %broadcast_in_dim3A_8 = vector.shape_cast %reduce_sum3A_7 : vector<128xf32> to vector<1x128xf32>
    %div3A_9 = arith.constant 9.999000e+03 : f32
    %div3A_10 = vector.broadcast %div3A_9 : f32 to vector<1x128xf32>
    %div3A_11 = arith.divf %broadcast_in_dim3A_8, %div3A_10 : vector<1x128xf32>
    %sqrt3A = math.sqrt %div3A_11 : vector<1x128xf32>
    %add3A = arith.constant 9.99999997E-7 : f32
    %add3A_12 = vector.broadcast %add3A : f32 to vector<1x128xf32>
    %add3A_13 = arith.addf %sqrt3A, %add3A_12 : vector<1x128xf32>
    %div3A_14 = vector.broadcast %add3A_13 : vector<1x128xf32> to vector<10000x128xf32>
    %div3A_15 = arith.divf %sub3A_5, %div3A_14 : vector<10000x128xf32>
    %get3A_16 = arith.constant 0 : index
    %get3A_17 = arith.constant 0 : index
    %get3A_18 = vector.load %arg1[%get3A_16, %get3A_17] : memref<128x128xf32, #tpu.memory_space<vmem>>, vector<128x128xf32>
    %dot_general3A = arith.constant dense<0.000000e+00> : vector<10000x128xf32>
    %dot_general3A_19 = tpu.matmul %div3A_15, %get3A_18, %dot_general3A {dimension_numbers = #tpu.dot_dimension_numbers<[1], [0], [0], [1], [0, 0, 1, 1], [], []>, transpose_lhs_hint = false} : vector<10000x128xf32>, vector<128x128xf32>, vector<10000x128xf32> -> vector<10000x128xf32>
    %get3A_20 = arith.constant 0 : index
    %get3A_21 = arith.constant 0 : index
    %get3A_22 = vector.load %arg2[%get3A_20, %get3A_21] : memref<32x10112xf32, #tpu.memory_space<vmem>>, vector<32x10112xf32>
    %broadcast_in_dim3A_23 = arith.constant 1.000000e+00 : f32
    %broadcast_in_dim3A_24 = vector.broadcast %broadcast_in_dim3A_23 : f32 to vector<32x1xf32>
    %dot_general3A_25 = arith.constant dense<0.000000e+00> : vector<10112x1xf32>
    %dot_general3A_26 = tpu.matmul %get3A_22, %broadcast_in_dim3A_24, %dot_general3A_25 {dimension_numbers = #tpu.dot_dimension_numbers<[0], [0], [1], [1], [0, 1, 1, 1], [], []>, transpose_lhs_hint = false} : vector<32x10112xf32>, vector<32x1xf32>, vector<10112x1xf32> -> vector<10112x1xf32>
    %add3A_27 = arith.constant 1.000000e+00 : f32
    %add3A_28 = vector.broadcast %add3A_27 : f32 to vector<10112x1xf32>
    %add3A_29 = arith.addf %dot_general3A_26, %add3A_28 : vector<10112x1xf32>
    %iota3A = tpu.iota {dimensions = array<i32: 0>} : vector<10112x1xi32>
    %lt3A = arith.constant 10000 : i32
    %lt3A_30 = vector.broadcast %lt3A : i32 to vector<10112x1xi32>
    %lt3A_31 = arith.cmpi slt, %iota3A, %lt3A_30 : vector<10112x1xi32>
    %rsqrt3A = math.rsqrt %add3A_29 : vector<10112x1xf32>
    %jit3A = arith.constant 0.000000e+00 : f32
    %broadcast_in_dim3A_32 = vector.broadcast %jit3A : f32 to vector<10112x1xf32>
    %select_n3A = arith.select %lt3A_31, %rsqrt3A, %broadcast_in_dim3A_32 : vector<10112x1xi1>, vector<10112x1xf32>
    %swap3A = arith.constant 0 : index
    %swap3A_33 = arith.constant 0 : index
    %swap3A_34 = vector.load %arg4[%swap3A, %swap3A_33] : memref<10112x1xf32, #tpu.memory_space<vmem>>, vector<10112x1xf32>
    tpu.vector_store %arg4[%swap3A, %swap3A_33], %select_n3A {strides = array<i32>} : memref<10112x1xf32, #tpu.memory_space<vmem>>, vector<10112x1xf32>,
    %slice3A = vector.extract_strided_slice %select_n3A {offsets = [0, 0], sizes = [10000, 1], strides = [1, 1]} : vector<10112x1xf32> to vector<10000x1xf32>
    %mul3A_35 = vector.broadcast %slice3A : vector<10000x1xf32> to vector<10000x128xf32>
    %mul3A_36 = arith.mulf %mul3A_35, %dot_general3A_19 : vector<10000x128xf32>
    %swap3A_37 = arith.constant 0 : index
    %swap3A_38 = arith.constant 0 : index
    %swap3A_39 = vector.load %arg3[%swap3A_37, %swap3A_38] : memref<10112x128xf32, #tpu.memory_space<vmem>>, vector<10000x128xf32>
    tpu.vector_store %arg3[%swap3A_37, %swap3A_38], %mul3A_36 {strides = array<i32>} : memref<10112x128xf32, #tpu.memory_space<vmem>>, vector<10000x128xf32>,
    %broadcast_in_dim3A_40 = arith.constant 0.000000e+00 : f32
    %broadcast_in_dim3A_41 = vector.broadcast %broadcast_in_dim3A_40 : f32 to vector<112x128xf32>
    %swap3A_42 = arith.constant 10000 : index
    %swap3A_43 = arith.constant 0 : index
    %swap3A_44 = vector.load %arg3[%swap3A_42, %swap3A_43] : memref<10112x128xf32, #tpu.memory_space<vmem>>, vector<112x128xf32>
    tpu.vector_store %arg3[%swap3A_42, %swap3A_43], %broadcast_in_dim3A_41 {strides = array<i32>} : memref<10112x128xf32, #tpu.memory_space<vmem>>, vector<112x128xf32>,
    return
  }
}

module attributes {stable_mosaic.version = 14 : i64} {
  func.func @_tc_mid_body(%arg0: memref<2x10112x128xf32, #tpu.memory_space<vmem>>, %arg1: memref<10112x128xf32, #tpu.memory_space<vmem>>, %arg2: memref<10112x1xf32, #tpu.memory_space<vmem>>, %arg3: memref<1x128xf32, #tpu.memory_space<vmem>>, %arg4: memref<128x128xf32, #tpu.memory_space<vmem>>, %arg5: memref<10112x128xf32, #tpu.memory_space<vmem>>) attributes {dimension_semantics = [], scalar_prefetch = 0 : i64, scratch_operands = 0 : i64, tpu.core_type = #tpu.core_type<tc>} {
    %get3A = arith.constant 0 : index
    %get3A_0 = arith.constant 0 : index
    %get3A_1 = arith.constant 0 : index
    %get3A_2 = vector.load %arg0[%get3A, %get3A_0, %get3A_1] : memref<2x10112x128xf32, #tpu.memory_space<vmem>>, vector<1x10112x128xf32>
    %get3A_3 = vector.shape_cast %get3A_2 : vector<1x10112x128xf32> to vector<10112x128xf32>
    %get3A_4 = arith.constant 1 : index
    %get3A_5 = arith.constant 0 : index
    %get3A_6 = arith.constant 0 : index
    %get3A_7 = vector.load %arg0[%get3A_4, %get3A_5, %get3A_6] : memref<2x10112x128xf32, #tpu.memory_space<vmem>>, vector<1x10112x128xf32>
    %get3A_8 = vector.shape_cast %get3A_7 : vector<1x10112x128xf32> to vector<10112x128xf32>
    %add3A = arith.addf %get3A_3, %get3A_8 : vector<10112x128xf32>
    %get3A_9 = arith.constant 0 : index
    %get3A_10 = arith.constant 0 : index
    %get3A_11 = vector.load %arg1[%get3A_9, %get3A_10] : memref<10112x128xf32, #tpu.memory_space<vmem>>, vector<10112x128xf32>
    %add3A_12 = arith.addf %add3A, %get3A_11 : vector<10112x128xf32>
    %get3A_13 = arith.constant 0 : index
    %get3A_14 = arith.constant 0 : index
    %get3A_15 = vector.load %arg2[%get3A_13, %get3A_14] : memref<10112x1xf32, #tpu.memory_space<vmem>>, vector<10112x1xf32>
    %mul3A = vector.broadcast %get3A_15 : vector<10112x1xf32> to vector<10112x128xf32>
    %mul3A_16 = arith.mulf %mul3A, %add3A_12 : vector<10112x128xf32>
    %get3A_17 = arith.constant 0 : index
    %get3A_18 = arith.constant 0 : index
    %get3A_19 = vector.load %arg3[%get3A_17, %get3A_18] : memref<1x128xf32, #tpu.memory_space<vmem>>, vector<1x128xf32>
    %add3A_20 = vector.broadcast %get3A_19 : vector<1x128xf32> to vector<10112x128xf32>
    %add3A_21 = arith.addf %mul3A_16, %add3A_20 : vector<10112x128xf32>
    %max3A = arith.constant 0.000000e+00 : f32
    %max3A_22 = vector.broadcast %max3A : f32 to vector<10112x128xf32>
    %max3A_23 = arith.maximumf %add3A_21, %max3A_22 : vector<10112x128xf32>
    %get3A_24 = arith.constant 0 : index
    %get3A_25 = arith.constant 0 : index
    %get3A_26 = vector.load %arg2[%get3A_24, %get3A_25] : memref<10112x1xf32, #tpu.memory_space<vmem>>, vector<10112x1xf32>
    %get3A_27 = arith.constant 0 : index
    %get3A_28 = arith.constant 0 : index
    %get3A_29 = vector.load %arg4[%get3A_27, %get3A_28] : memref<128x128xf32, #tpu.memory_space<vmem>>, vector<128x128xf32>
    %dot_general3A = arith.constant dense<0.000000e+00> : vector<10112x128xf32>
    %dot_general3A_30 = tpu.matmul %max3A_23, %get3A_29, %dot_general3A {dimension_numbers = #tpu.dot_dimension_numbers<[1], [0], [0], [1], [0, 0, 1, 1], [], []>, transpose_lhs_hint = false} : vector<10112x128xf32>, vector<128x128xf32>, vector<10112x128xf32> -> vector<10112x128xf32>
    %mul3A_31 = vector.broadcast %get3A_26 : vector<10112x1xf32> to vector<10112x128xf32>
    %mul3A_32 = arith.mulf %mul3A_31, %dot_general3A_30 : vector<10112x128xf32>
    %swap3A = arith.constant 0 : index
    %swap3A_33 = arith.constant 0 : index
    %swap3A_34 = vector.load %arg5[%swap3A, %swap3A_33] : memref<10112x128xf32, #tpu.memory_space<vmem>>, vector<10112x128xf32>
    tpu.vector_store %arg5[%swap3A, %swap3A_33], %mul3A_32 {strides = array<i32>} : memref<10112x128xf32, #tpu.memory_space<vmem>>, vector<10112x128xf32>,
    return
  }
}

module attributes {stable_mosaic.version = 14 : i64} {
  func.func @_tc_final_body(%arg0: memref<2x10112x128xf32, #tpu.memory_space<vmem>>, %arg1: memref<10112x128xf32, #tpu.memory_space<vmem>>, %arg2: memref<10112x1xf32, #tpu.memory_space<vmem>>, %arg3: memref<1x128xf32, #tpu.memory_space<vmem>>, %arg4: memref<1x10112xi32, #tpu.memory_space<vmem>>, %arg5: memref<128x3xf32, #tpu.memory_space<vmem>>, %arg6: memref<1x3xf32, #tpu.memory_space<vmem>>, %arg7: memref<64x3xf32, #tpu.memory_space<vmem>>) attributes {dimension_semantics = [], scalar_prefetch = 0 : i64, scratch_operands = 0 : i64, tpu.core_type = #tpu.core_type<tc>} {
    %get3A = arith.constant 0 : index
    %get3A_0 = arith.constant 0 : index
    %get3A_1 = arith.constant 0 : index
    %get3A_2 = vector.load %arg0[%get3A, %get3A_0, %get3A_1] : memref<2x10112x128xf32, #tpu.memory_space<vmem>>, vector<1x10112x128xf32>
    %get3A_3 = vector.shape_cast %get3A_2 : vector<1x10112x128xf32> to vector<10112x128xf32>
    %get3A_4 = arith.constant 1 : index
    %get3A_5 = arith.constant 0 : index
    %get3A_6 = arith.constant 0 : index
    %get3A_7 = vector.load %arg0[%get3A_4, %get3A_5, %get3A_6] : memref<2x10112x128xf32, #tpu.memory_space<vmem>>, vector<1x10112x128xf32>
    %get3A_8 = vector.shape_cast %get3A_7 : vector<1x10112x128xf32> to vector<10112x128xf32>
    %add3A = arith.addf %get3A_3, %get3A_8 : vector<10112x128xf32>
    %get3A_9 = arith.constant 0 : index
    %get3A_10 = arith.constant 0 : index
    %get3A_11 = vector.load %arg1[%get3A_9, %get3A_10] : memref<10112x128xf32, #tpu.memory_space<vmem>>, vector<10112x128xf32>
    %add3A_12 = arith.addf %add3A, %get3A_11 : vector<10112x128xf32>
    %get3A_13 = arith.constant 0 : index
    %get3A_14 = arith.constant 0 : index
    %get3A_15 = vector.load %arg2[%get3A_13, %get3A_14] : memref<10112x1xf32, #tpu.memory_space<vmem>>, vector<10112x1xf32>
    %mul3A = vector.broadcast %get3A_15 : vector<10112x1xf32> to vector<10112x128xf32>
    %mul3A_16 = arith.mulf %mul3A, %add3A_12 : vector<10112x128xf32>
    %get3A_17 = arith.constant 0 : index
    %get3A_18 = arith.constant 0 : index
    %get3A_19 = vector.load %arg3[%get3A_17, %get3A_18] : memref<1x128xf32, #tpu.memory_space<vmem>>, vector<1x128xf32>
    %add3A_20 = vector.broadcast %get3A_19 : vector<1x128xf32> to vector<10112x128xf32>
    %add3A_21 = arith.addf %mul3A_16, %add3A_20 : vector<10112x128xf32>
    %max3A = arith.constant 0.000000e+00 : f32
    %max3A_22 = vector.broadcast %max3A : f32 to vector<10112x128xf32>
    %max3A_23 = arith.maximumf %add3A_21, %max3A_22 : vector<10112x128xf32>
    %iota3A = tpu.iota {dimensions = array<i32: 0>} : vector<64x10112xi32>
    %get3A_24 = arith.constant 0 : index
    %get3A_25 = arith.constant 0 : index
    %get3A_26 = vector.load %arg4[%get3A_24, %get3A_25] : memref<1x10112xi32, #tpu.memory_space<vmem>>, vector<1x10112xi32>
    %eq3A = vector.broadcast %get3A_26 : vector<1x10112xi32> to vector<64x10112xi32>
    %eq3A_27 = arith.cmpi eq, %eq3A, %iota3A : vector<64x10112xi32>
    %convert_element_type3A = arith.extui %eq3A_27 : vector<64x10112xi1> to vector<64x10112xi32>
    %convert_element_type3A_28 = arith.sitofp %convert_element_type3A : vector<64x10112xi32> to vector<64x10112xf32>
    %reduce_sum3A = arith.constant dense<0.000000e+00> : vector<64xf32>
    %reduce_sum3A_29 = vector.multi_reduction <add>, %convert_element_type3A_28, %reduce_sum3A [1] : vector<64x10112xf32> to vector<64xf32>
    %broadcast_in_dim3A = vector.shape_cast %reduce_sum3A_29 : vector<64xf32> to vector<64x1xf32>
    %dot_general3A = arith.constant dense<0.000000e+00> : vector<64x128xf32>
    %dot_general3A_30 = tpu.matmul %convert_element_type3A_28, %max3A_23, %dot_general3A {dimension_numbers = #tpu.dot_dimension_numbers<[1], [0], [0], [1], [0, 0, 1, 1], [], []>, transpose_lhs_hint = false} : vector<64x10112xf32>, vector<10112x128xf32>, vector<64x128xf32> -> vector<64x128xf32>
    %max3A_31 = arith.constant 1.000000e+00 : f32
    %max3A_32 = vector.broadcast %max3A_31 : f32 to vector<64x1xf32>
    %max3A_33 = arith.maximumf %broadcast_in_dim3A, %max3A_32 : vector<64x1xf32>
    %div3A = vector.broadcast %max3A_33 : vector<64x1xf32> to vector<64x128xf32>
    %div3A_34 = arith.divf %dot_general3A_30, %div3A : vector<64x128xf32>
    %get3A_35 = arith.constant 0 : index
    %get3A_36 = arith.constant 0 : index
    %get3A_37 = vector.load %arg5[%get3A_35, %get3A_36] : memref<128x3xf32, #tpu.memory_space<vmem>>, vector<128x3xf32>
    %dot_general3A_38 = arith.constant dense<0.000000e+00> : vector<64x3xf32>
    %dot_general3A_39 = tpu.matmul %div3A_34, %get3A_37, %dot_general3A_38 {dimension_numbers = #tpu.dot_dimension_numbers<[1], [0], [0], [1], [0, 0, 1, 1], [], []>, transpose_lhs_hint = false} : vector<64x128xf32>, vector<128x3xf32>, vector<64x3xf32> -> vector<64x3xf32>
    %get3A_40 = arith.constant 0 : index
    %get3A_41 = arith.constant 0 : index
    %get3A_42 = vector.load %arg6[%get3A_40, %get3A_41] : memref<1x3xf32, #tpu.memory_space<vmem>>, vector<1x3xf32>
    %add3A_43 = vector.broadcast %get3A_42 : vector<1x3xf32> to vector<64x3xf32>
    %add3A_44 = arith.addf %dot_general3A_39, %add3A_43 : vector<64x3xf32>
    %swap3A = arith.constant 0 : index
    %swap3A_45 = arith.constant 0 : index
    %swap3A_46 = vector.load %arg7[%swap3A, %swap3A_45] : memref<64x3xf32, #tpu.memory_space<vmem>>, vector<64x3xf32>
    tpu.vector_store %arg7[%swap3A, %swap3A_45], %add3A_44 {strides = array<i32>} : memref<64x3xf32, #tpu.memory_space<vmem>>, vector<64x3xf32>,
    return
  }
}

</mosaic_0001>

<sc_bundles>
// kernel: kernel.11.cloned.1.call-start
scs
__scs_entry_jumppad:
0x0: {  	(pc) =	sbr.rel $0x88, $3  }
0x1: {  	(tag) =	ssettag $0x0;
	lr =	simm.s32 $0x1  }
0x2: {  	[smem:$0x3F98] =	sst lr;
	_ =	strace $0xD0000000  }
0x3: {  	_ = 	snop  }
0x4: {  	_ = 	snop  }
0x5: {  	_ = 	snop  }
0x6: {  	_ = 	snop  }
0x7: {  	_ = 	snop  }
__scs_overlays_trampoline_lowered:
0x8: {  	[smem:$0x3FA7] =	sst s0  }
0x9: {  	[smem:$0x3FA8] =	sst s1  }
0xa: {  	[smem:$0x3FA9] =	sst s2  }
0xb: {  	[smem:$0x3FAA] =	sst s3  }
0xc: {  	[smem:$0x3FAB] =	sst s4  }
0xd: {  	[smem:$0x3FAC] =	sst s5  }
0xe: {  	[smem:$0x3FAD] =	sst s6  }
0xf: {  	[smem:$0x3FAE] =	sst s7  }
0x10: {  	[smem:$0x3FAF] =	sst s8  }
0x11: {  	[smem:$0x3FB0] =	sst s9;
	s0 =	simm.s32 @!p0 $0x0  }
0x12: {  	s1 =	sld [smem:$0x3F96];
	s0 =	simm.s32 @p0 $0x1  }
0x13: {  	[smem:$0x3FB1] =	sst s0;
	s0 =	simm.s32 @!p1 $0x0  }
0x14: {  	s2 =	sld [smem:$0x3F95];
	s0 =	simm.s32 @p1 $0x1  }
0x15: {  	[smem:$0x3FB2] =	sst s0;
	s0 =	simm.s32 @!p2 $0x0  }
0x16: {  	s3 =	sld [smem:$0x3FDB];
	s0 =	simm.s32 @p2 $0x1  }
0x17: {  	s4 =	simm.s32 $0x1BF5;
	[smem:$0x3FB4] =	sst s0  }
0x18: {  	s0 =	sld [smem:$0x3F97];
	_ =	swait.ge [sflag:s4], $0x0  }
0x19: {  	s7 =	sld [smem:$0x3F98]  }
0x1a: {  	s8 =	sadd.s32 $0xFFFFE003, lr  }
0x1b: {  	s9 =	sadd.s32 $0xFFFFFEF7, lr;
	s5 =	simm.s32 $0xFFFFFFFF;
	p2 =	slt.u32 s8, $0xFFFFF086  }
0x1c: {  	p1 =	slt.u32 s9, $0xF7A;
	s5 =	simm.s32 @!p2 $0x0  }
0x1d: {  	s5 =	simm.s32 @p1 $0x1;
	p0 =	seq.s32 s7, s2  }
0x1e: {  	s7 =	smul.u32 @!p0 $0xF7A, s2;
	p2 =	seq.s32 @!p0 s5, $0x0  }
0x1f: {  	s9 =	smul.u32 $0xF7A, s1;
	s8 =	simm.s32 @!p0 $0x1BF5;
	p2 =	por !p2, p0  }
0x20: {  	[sflag:s8] =	ssyncset.s32 @!p0 $0xFFFFF086;
	s6 =	sadd.s32 @!p0 s3, s7;
	s7 =	simm.s32 @!p0 $0x108  }
0x21: {  	s3 =	sadd.s32 s3, s9;
	s6 =	sadd.s32 @!p0 $0x88, s6;
	s7 =	simm.s32 @p2 $0x1082  }
0x22: {  	[simem:s7], [sflag:s8] =	dma.local @!p0 [hbm:s6], $0xF7A  }
0x23: {  	s9 =	sor.u32 $0xD0000000, s2;
	s6 =	simm.s32 $0x108;
	_ =	swait.ge @!p0 [sflag:s8], $0x0  }
0x24: {  	s3 =	sadd.s32 $0x88, s3;
	s6 =	simm.s32 @!p1 $0x1082;
	[sflag:s4] =	ssyncset.s32 $0xFFFFF086  }
0x25: {  	[simem:s6], [sflag:s4] =	dma.local [hbm:s3], $0xF7A  }
0x26: {  	[smem:$0x3F98] =	sst s1;
	(tag) =	ssettag s2;
	_ =	strace s9  }
0x27: {  	s1 =	sld [smem:$0x3FA8]  }
0x28: {  	s2 =	sld [smem:$0x3FA9]  }
0x29: {  	s4 =	sld [smem:$0x3FAB]  }
0x2a: {  	p0 =	seq.s32 s5, $0x0;
	s5 =	sld [smem:$0x3FAC]  }
0x2b: {  	s6 =	sld [smem:$0x3FAD]  }
0x2c: {  	s7 =	sld [smem:$0x3FAE]  }
0x2d: {  	s3 =	simm.s32 $0x108;
	s8 =	sld [smem:$0x3FAF]  }
0x2e: {  	s3 =	simm.s32 @!p0 $0x1082;
	s9 =	sld [smem:$0x3FB0]  }
0x2f: {  	lr =	sadd.s32 s0, s3;
	s0 =	sld [smem:$0x3FA7]  }
0x30: {  	s3 =	sld [smem:$0x3FAA]  }
0x31: {  	[smem:$0x3FB3] =	sst s10  }
0x32: {  	s10 =	sld [smem:$0x3FB1];
	_ =	sdelay $0x3  }
0x33: {  	p0 =	seq.s32 s10, $0x1;
	s10 =	sld [smem:$0x3FB3];
	_ =	sdelay $0x3  }
0x34: {  	[smem:$0x3FB3] =	sst s10  }
0x35: {  	s10 =	sld [smem:$0x3FB2];
	_ =	sdelay $0x3  }
0x36: {  	p1 =	seq.s32 s10, $0x1;
	s10 =	sld [smem:$0x3FB3];
	_ =	sdelay $0x3  }
0x37: {  	[smem:$0x3FB3] =	sst s10  }
0x38: {  	s10 =	sld [smem:$0x3FB4]  }
0x39: {  	_ = 	snop;
	(pc) =	sbr.ind lr, $3  }
0x3a: {  	_ = 	snop  }
0x3b: {  	_ = 	snop  }
0x3c: {  	p2 =	seq.s32 s10, $0x1;
	s10 =	sld [smem:$0x3FB3]  }
0x3d: {  	_ =	shalt  }
0x3e: {  	_ =	shalt  }
0x3f: {  	_ =	shalt  }
0x40: {  	_ =	shalt  }
0x41: {  	_ =	shalt  }
0x42: {  	_ =	shalt  }
0x43: {  	_ =	shalt  }
0x44: {  	_ =	shalt  }
0x45: {  	_ =	shalt  }
0x46: {  	_ =	shalt  }
0x47: {  	_ =	shalt  }
0x48: {  	_ =	shalt  }
0x49: {  	_ =	shalt  }
0x4a: {  	_ =	shalt  }
0x4b: {  	_ =	shalt  }
0x4c: {  	_ =	shalt  }
0x4d: {  	_ =	shalt  }
0x4e: {  	_ =	shalt  }
0x4f: {  	_ =	shalt  }
0x50: {  	_ =	shalt  }
0x51: {  	_ =	shalt  }
0x52: {  	_ =	shalt  }
0x53: {  	_ =	shalt  }
0x54: {  	_ =	shalt  }
0x55: {  	_ =	shalt  }
0x56: {  	_ =	shalt  }
0x57: {  	_ =	shalt  }
0x58: {  	_ =	shalt  }
0x59: {  	_ =	shalt  }
0x5a: {  	_ =	shalt  }
0x5b: {  	_ =	shalt  }
0x5c: {  	_ =	shalt  }
0x5d: {  	_ =	shalt  }
0x5e: {  	_ =	shalt  }
0x5f: {  	_ =	shalt  }
0x60: {  	_ =	shalt  }
0x61: {  	_ =	shalt  }
0x62: {  	_ =	shalt  }
0x63: {  	_ =	shalt  }
0x64: {  	_ =	shalt  }
0x65: {  	_ =	shalt  }
0x66: {  	_ =	shalt  }
0x67: {  	_ =	shalt  }
0x68: {  	_ =	shalt  }
0x69: {  	_ =	shalt  }
0x6a: {  	_ =	shalt  }
0x6b: {  	_ =	shalt  }
0x6c: {  	_ =	shalt  }
0x6d: {  	_ =	shalt  }
0x6e: {  	_ =	shalt  }
0x6f: {  	_ =	shalt  }
0x70: {  	_ =	shalt  }
0x71: {  	_ =	shalt  }
0x72: {  	_ =	shalt  }
0x73: {  	_ =	shalt  }
0x74: {  	_ =	shalt  }
0x75: {  	_ =	shalt  }
0x76: {  	_ =	shalt  }
0x77: {  	_ =	shalt  }
0x78: {  	_ =	shalt  }
0x79: {  	_ =	shalt  }
0x7a: {  	_ =	shalt  }
0x7b: {  	_ =	shalt  }
0x7c: {  	_ =	shalt  }
0x7d: {  	_ =	shalt  }
0x7e: {  	_ =	shalt  }
0x7f: {  	_ =	shalt  }
0x80: {  	_ =	shalt  }
0x81: {  	_ =	shalt  }
0x82: {  	_ =	shalt  }
0x83: {  	_ =	shalt  }
0x84: {  	_ =	shalt  }
0x85: {  	_ =	shalt  }
0x86: {  	_ =	shalt  }
0x87: {  	_ =	shalt  }
.Lfunc_end0:
.L_simem_size_0:
called_computation.1_lowered:
.L_overlay_start_0:
0x88: {  	s2 =	sld [smem:$0x3FD9]  }
0x89: {  	s3 =	sld [smem:$0x3FFE];
	_ =	sdelay $0x1  }
0x8a: {  	s1 =	srdreg.scid  }
0x8b: {  	s0 =	sand.u32 $0x1, s1  }
0x8c: {  	s16 =	sshll.u32 s0, $0xA;
	s2 =	sadd.s32 s3, s2  }
0x8d: {  	s2 =	sadd.s32 s2, s16  }
0x8e: {  	[smem:$0x3FBF] =	sst s2  }
0x8f: {  	_ = 	snop  }
0x90: {  	(tm) =	ssettm $0x1  }
0x91: {  	s17 =	sld [smem:$0x3FFB];
	_ =	sdelay $0x3  }
0x92: {  	_ =	strace s17  }
0x93: {  	s2 =	sld [smem:$0x3FFC];
	_ =	sdelay $0x3  }
0x94: {  	_ =	strace s2  }
0x95: {  	s2 =	sld [smem:$0x3FFD];
	_ =	sdelay $0x3  }
0x96: {  	_ =	strace s2  }
0x97: {  	_ =	strace $0x8FFFFFFF  }
0x98: {  	s18 =	sld [smem:$0x3FDB];
	_ =	sdelay $0x1  }
0x99: {  	s19 =	simm.s32 $_scs_section_size  }
0x9a: {  	s4 =	simm.s32 $_size__tile_overlayer_lowered;
	s5 =	simm.s32 $_tile_overlayer_lowered  }
0x9b: {  	s22 =	simm.s32 $0x1BFF;
	s21 =	sshll.u32 s5, $0x1;
	s2 =	sadd.s32 s19, s18  }
0x9c: {  	s6 =	simm.s32 $0x0;
	s20 =	sshll.u32 s4, $0x1;
	s4 =	sadd.s32 s21, s2  }
0x9d: {  	[timem:s6], [sflag:s22] =	dma.local [hbm:s4], s20  }
0x9e: {  	_ =	swait.ge [sflag:s22], s20  }
0x9f: {  	s3 =	ssub.s32 $0x0, s20;
	[sflag:s22] =	ssyncset.done $0x0  }
0xa0: {  	[sflag:s22] =	ssyncadd.s32 s3;
	_ =	sdelay $0x1  }
0xa1: {  	s23 =	simm.s32 $0x1B8B  }
0xa2: {  	_ =	swait.ge [sflag:s23], $0x1  }
0xa3: {  	[sflag:s23] =	ssyncset.done $0x0  }
0xa4: {  	s25 =	simm.s32 $0x1B8E;
	s24 =	sld [smem:$0x3FFE];
	[sflag:s23] =	ssyncadd.s32 $0xFFFFFFFF  }
0xa5: {  	s26 =	simm.s32 $execute0_lowered;
	[smem:$0x3FD2] =	sst s25  }
0xa6: {  	s4 =	sshll.u32 s26, $0x1;
	_ =	strace $0x80000049;
	[dreg:$0x1] =	wrdreg $0xFFFFFFFF  }
0xa7: {  	s28 =	simm.s32 $_size_execute0_lowered;
	s2 =	sadd.s32 s2, s4;
	[dreg:$0x0] =	wrdreg $0x0  }
0xa8: {  	s4 =	sshll.u32 s28, $0x1;
	[dreg:$0x2] =	wrdreg s2  }
0xa9: {  	[dreg:$0x3] =	wrdreg s4  }
0xaa: {  	[dreg:$0x4] =	wrdreg $0xC0  }
0xab: {  	_ =	task [dreg:s6], $0x5FFFF  }
0xac: {  	[dreg:$0x1] =	wrdreg $0xFFFFFFFF  }
0xad: {  	[dreg:$0x0] =	wrdreg $0x60  }
0xae: {  	[dreg:$0x2] =	wrdreg s24  }
0xaf: {  	[dreg:$0x3] =	wrdreg $0xA0000  }
0xb0: {  	[dreg:$0x4] =	wrdreg $0x9  }
0xb1: {  	_ =	task.clear_ibuf [dreg:s6], $0x5FFFF;
	_ =	strace $0x90000049  }
0xb2: {  	s29 =	simm.s32 $0x9;
	_ =	strace $0x8000004B  }
0xb3: {  	_ =	swait.ge [sflag:s29], $0x1  }
0xb4: {  	[sflag:s29] =	ssyncadd.s32 $0xFFFFFFFF  }
0xb5: {  	_ =	strace $0x9000004B  }
0xb6: {  	_ =	sfence  }
0xb7: {  	s30 =	sld [smem:$0x0];
	_ =	sdelay $0x2  }
0xb8: {  	s31 =	sshll.u32 s1, $0xD;
	s1 =	sshrl.u32 s1, $0x2  }
0xb9: {  	s3 =	sand.u32 $0x4000, s31;
	s1 =	sadd.s32 s1, s30  }
0xba: {  	s0 =	sor.u32 s3, s0;
	s1 =	sshll.u32 s1, $0x11  }
0xbb: {  	s0 =	sor.u32 s1, s0  }
0xbc: {  	s0 =	sadd.s32 $0x8F2B, s0  }
0xbd: {  	[sflag:s0] =	ssyncadd.remote.s32 $0x1  }
0xbe: {  	_ =	sfence.sel $0xFFFF  }
0xbf: {  	[dreg:$0x0] =	wrdreg $0xFFFFFFFF;
	(pc) =	sbr.abs _section_cstart, $3  }
0xc0: {  	[dreg:$0x1] =	wrdreg $0xFFFFFFFF  }
0xc1: {  	_ =	task.clear_ibuf [dreg:s6], $0x2FFFF;
	_ =	strace $0x9FFFFFFF  }
0xc2: {  	(tm) =	ssettm $0x7FFFFFFF  }
0xc3: {  	_ =	shalt  }
tec
execute0_lowered:
.L_overlay_start_1:
0x0: {  	(tag) =	ssettag $0x1  }
0x1: {  	s6 =	rddreg [dreg:$0x0];
	s1 =	srdreg.scid  }
0x2: {  	s0 =	stileid.u32;
	s2 =	rddreg [dreg:$0x1]  }
0x3: {  	s3 =	simm.s32 $0x0;
	s13 =	simm.s32 $0x80;
	s14 =	simm.s32 $0x6000  }
0x4: {  	s15 =	simm.s32 $0x1;
	s7 =	sand.u32 $0x1, s1;
	s1 =	rddreg [dreg:$0x2]  }
0x5: {  	s4 =	sshll.u32 s0, $0x1;
	[smem:$0x7FF] =	sst s3;
	s12 =	smul.u32 $0x4F000, s0  }
0x6: {  	s17 =	smul.u32 $0x2780, s0;
	s31 =	sshll.u32 s0, $0x6;
	s4 =	sor.u32 s7, s4  }
0x7: {  	_ =	strace $0x8000004A;
	s9 =	smul.u32 $0x27800, s7;
	s10 =	ssub.s32 $0x2, s7  }
0x8: {  	p0 =	seq.s32 s7, $0x0;
	s7 =	simm.s32 $0x5F;
	s5 =	smul.u32 $0x600, s4  }
0x9: {  	s4 =	sadd.s32 $0x2E400, s6;
	s11 =	sshrl.u32 s10, $0x1;
	s30 =	sshrl.u32 s12, $0x2  }
0xa: {  	s7 =	simm.s32 @!p0 $0x3E;
	s9 =	sadd.s32 s9, s6;
	s10 =	ssub.s32 s10, s11  }
0xb: {  	s12 =	sadd.s32 s30, s2;
	s11 =	sor.u32 $0x1C02, s31;
	s8 =	sadd.s32 s5, s6  }
0xc: {  	s5 =	sadd.s32 $0x2800, s6;
	s16 =	sadd.s32 $0x55C00, s9;
	s9 =	smax.u32 s10, $0x1  }
0xd: {  	s10 =	simm.s32 $0x2;
	s12 =	sshrl.u32 s12, $0x3;
	s6 =	sadd.s32 $0x16400, s8  }
0xe: {  	s8 =	sadd.s32 $0x22400, s8;
	s16 =	sadd.s32 s17, s16;
	s17 =	simm.s32 $0x0  }
.LBB2_1:
0xf: {  	[tilespmem:s3], [sflag:$0x2] =	stream.linear.gather [hbm4b:s6+s3], $0x2F80, $0x38;
	[tilespmem:$0x1DC00] =	vst v63  }
0x10: {  	_ =	swait.ge [sflag:s10], $0x2F80  }
0x11: {  	[sflag:s10] =	ssyncset.done $0x0  }
0x12: {  	s18 =	simm.s32 $0x3000;
	[sflag:s10] =	ssyncadd.s32 $0xFFFFD080  }
0x13: {  	[tilespmem:s18], [sflag:$0x2] =	stream.linear.gather [hbm4b:s8+s3], $0x2F80, $0x38;
	[tilespmem:$0x1DC00] =	vst v63  }
0x14: {  	_ =	swait.ge [sflag:s10], $0x2F80  }
0x15: {  	[sflag:s10] =	ssyncset.done $0x0  }
0x16: {  	[sflag:s10] =	ssyncadd.s32 $0xFFFFD080  }
0x17: {  	[spmem:s12], [sflag:s11] =	dma.local [hbm:s5], $0x2780  }
0x18: {  	_ =	swait.ge [sflag:s10], $0x2780  }
0x19: {  	[sflag:s10] =	ssyncset.done $0x0  }
0x1a: {  	[sflag:s10] =	ssyncadd.s32 $0xFFFFD880  }
0x1b: {  	[bflag:$0x0] =	sbarrier.arrive $0xFFFF  }
0x1c: {  	[tilespmem:s14], [sflag:$0x1] =	stream.indirect.gather [hbm4b:s4+s13], $0x80, s3, s13, $0xb8;
	[tilespmem:$0x1DC00] =	vst v63  }
0x1d: {  	p0 =	sne.s32 s7, $0x1;
	_ =	swait.ge [sflag:s15], $0x4000  }
.Ltmp0:
0x1e: {  	[sflag:s15] =	ssyncset.done $0x0;
	(pc) =	sbr.rel @!p0 .LBB2_3-.Ltmp0, $4  }
0x1f: {  	[sflag:s15] =	ssyncadd.s32 $0xFFFFC000  }
0x20: {  	[spmem:s2] =	stream.indirect.scatter.add.f32 [tilespmem:s14], [sflag:$0x2], $0x80, s18, s13, $0xb8;
	[tilespmem:$0x1DC00] =	vst v63  }
0x21: {  	_ =	swait.ge [sflag:s10], $0x4000  }
0x22: {  	s19 =	sadd.s32 $0xFFFFFFFF, s7;
	s20 =	simm.s32 $0x0;
	[sflag:s10] =	ssyncset.done $0x0  }
.LBB2_2:
0x23: {  	[sflag:s10] =	ssyncadd.s32 $0xFFFFC000;
	s20 =	sadd.s32 $0x80, s20;
	s18 =	sadd.s32 $0x80, s18  }
0x24: {  	[tilespmem:s14], [sflag:$0x1] =	stream.indirect.gather [hbm4b:s4+s13], $0x80, s20, s13, $0xb8;
	[tilespmem:$0x1DC00] =	vst v63  }
0x25: {  	p0 =	sne.s32 s19, $0x1;
	s19 =	sadd.s32 $0xFFFFFFFF, s19;
	_ =	swait.ge [sflag:s15], $0x4000  }
.Ltmp1:
0x26: {  	[sflag:s15] =	ssyncset.done $0x0;
	(pc) =	sbr.rel @p0 .LBB2_2-.Ltmp1, $4  }
0x27: {  	[sflag:s15] =	ssyncadd.s32 $0xFFFFC000  }
0x28: {  	[spmem:s2] =	stream.indirect.scatter.add.f32 [tilespmem:s14], [sflag:$0x2], $0x80, s18, s13, $0xb8;
	[tilespmem:$0x1DC00] =	vst v63  }
0x29: {  	_ =	swait.ge [sflag:s10], $0x4000  }
0x2a: {  	[sflag:s10] =	ssyncset.done $0x0  }
.LBB2_3:
0x2b: {  	s17 =	sadd.s32 $0x1, s17  }
0x2c: {  	[sflag:s10] =	ssyncadd.s32 $0xFFFFC000;
	p0 =	sne.s32 s17, s9  }
.Ltmp2:
0x2d: {  	[bflag:$0x0] =	sbarrier.arrive $0xFFFF;
	(pc) =	sbr.rel @p0 .LBB2_1-.Ltmp2, $4  }
0x2e: {  	[hbm:s16], [sflag:s11] =	dma.local [spmem:s12], $0x2780  }
0x2f: {  	_ =	swait.ge [sflag:s10], $0x2780  }
0x30: {  	[sflag:s10] =	ssyncset.done $0x0  }
0x31: {  	[sflag:s10] =	ssyncadd.s32 $0xFFFFD880  }
0x32: {  	_ =	sfence.sel $0x180000  }
0x33: {  	[bflag:$0x0] =	sbarrier.arrive $0xFFFF  }
0x34: {  	p0 =	sne.s32 s0, $0x0;
	_ =	strace $0x9000004A  }
0x35: {  	s0 =	sadd.s32 @!p0 $0x100000, s1;
	[bflag:$0x2] =	sbarrier.arrive $0xFFFF  }
0x36: {  	[sflag:s0] =	ssyncadd.tile.s32 @!p0 $0x1;
	_ =	shalt  }
.Lfunc_end2:
_tile_overlayer_lowered:
.L_overlay_start_2:
0x37: {  	(tag) =	ssettag $0x2  }
0x38: {  	s0 =	rddreg [dreg:$0x0];
	s2 =	stileid.u32  }
0x39: {  	s1 =	rddreg [dreg:$0x1];
	p0 =	sne.s32 s2, $0x0  }
0x3a: {  	s3 =	rddreg [dreg:$0x2];
	[bflag:$0x3] =	sbarrier.arrive $0xFFFF;
	s2 =	simm.s32 @!p0 $0x1C02  }
0x3b: {  	[timem:s3], [sflag:s2] =	dma.local @!p0 [hbm:s0], s1  }
0x3c: {  	s0 =	simm.s32 @!p0 $0x2  }
0x3d: {  	_ =	swait.ge @!p0 [sflag:s0], s1  }
0x3e: {  	s1 =	ssub.s32 @!p0 $0x0, s1;
	[sflag:s0] =	ssyncset.done @!p0 $0x0  }
0x3f: {  	[sflag:s0] =	ssyncadd.s32 @!p0 s1  }
0x40: {  	[bflag:$0x3] =	sbarrier.arrive $0xFFFF  }
0x41: {  	_ =	shalt  }

// kernel: kernel.14.cloned.1.call-start
scs
__scs_entry_jumppad:
0x0: {  	(pc) =	sbr.rel $0x88, $3  }
0x1: {  	(tag) =	ssettag $0x0;
	lr =	simm.s32 $0x1  }
0x2: {  	[smem:$0x3F98] =	sst lr;
	_ =	strace $0xD0000000  }
0x3: {  	_ = 	snop  }
0x4: {  	_ = 	snop  }
0x5: {  	_ = 	snop  }
0x6: {  	_ = 	snop  }
0x7: {  	_ = 	snop  }
__scs_overlays_trampoline_lowered:
0x8: {  	[smem:$0x3FA7] =	sst s0  }
0x9: {  	[smem:$0x3FA8] =	sst s1  }
0xa: {  	[smem:$0x3FA9] =	sst s2  }
0xb: {  	[smem:$0x3FAA] =	sst s3  }
0xc: {  	[smem:$0x3FAB] =	sst s4  }
0xd: {  	[smem:$0x3FAC] =	sst s5  }
0xe: {  	[smem:$0x3FAD] =	sst s6  }
0xf: {  	[smem:$0x3FAE] =	sst s7  }
0x10: {  	[smem:$0x3FAF] =	sst s8  }
0x11: {  	[smem:$0x3FB0] =	sst s9;
	s0 =	simm.s32 @!p0 $0x0  }
0x12: {  	s1 =	sld [smem:$0x3F96];
	s0 =	simm.s32 @p0 $0x1  }
0x13: {  	[smem:$0x3FB1] =	sst s0;
	s0 =	simm.s32 @!p1 $0x0  }
0x14: {  	s2 =	sld [smem:$0x3F95];
	s0 =	simm.s32 @p1 $0x1  }
0x15: {  	[smem:$0x3FB2] =	sst s0;
	s0 =	simm.s32 @!p2 $0x0  }
0x16: {  	s3 =	sld [smem:$0x3FDB];
	s0 =	simm.s32 @p2 $0x1  }
0x17: {  	s4 =	simm.s32 $0x1BF5;
	[smem:$0x3FB4] =	sst s0  }
0x18: {  	s0 =	sld [smem:$0x3F97];
	_ =	swait.ge [sflag:s4], $0x0  }
0x19: {  	s7 =	sld [smem:$0x3F98]  }
0x1a: {  	s8 =	sadd.s32 $0xFFFFE003, lr  }
0x1b: {  	s9 =	sadd.s32 $0xFFFFFEF7, lr;
	s5 =	simm.s32 $0xFFFFFFFF;
	p2 =	slt.u32 s8, $0xFFFFF086  }
0x1c: {  	p1 =	slt.u32 s9, $0xF7A;
	s5 =	simm.s32 @!p2 $0x0  }
0x1d: {  	s5 =	simm.s32 @p1 $0x1;
	p0 =	seq.s32 s7, s2  }
0x1e: {  	s7 =	smul.u32 @!p0 $0xF7A, s2;
	p2 =	seq.s32 @!p0 s5, $0x0  }
0x1f: {  	s9 =	smul.u32 $0xF7A, s1;
	s8 =	simm.s32 @!p0 $0x1BF5;
	p2 =	por !p2, p0  }
0x20: {  	[sflag:s8] =	ssyncset.s32 @!p0 $0xFFFFF086;
	s6 =	sadd.s32 @!p0 s3, s7;
	s7 =	simm.s32 @!p0 $0x108  }
0x21: {  	s3 =	sadd.s32 s3, s9;
	s6 =	sadd.s32 @!p0 $0x88, s6;
	s7 =	simm.s32 @p2 $0x1082  }
0x22: {  	[simem:s7], [sflag:s8] =	dma.local @!p0 [hbm:s6], $0xF7A  }
0x23: {  	s9 =	sor.u32 $0xD0000000, s2;
	s6 =	simm.s32 $0x108;
	_ =	swait.ge @!p0 [sflag:s8], $0x0  }
0x24: {  	s3 =	sadd.s32 $0x88, s3;
	s6 =	simm.s32 @!p1 $0x1082;
	[sflag:s4] =	ssyncset.s32 $0xFFFFF086  }
0x25: {  	[simem:s6], [sflag:s4] =	dma.local [hbm:s3], $0xF7A  }
0x26: {  	[smem:$0x3F98] =	sst s1;
	(tag) =	ssettag s2;
	_ =	strace s9  }
0x27: {  	s1 =	sld [smem:$0x3FA8]  }
0x28: {  	s2 =	sld [smem:$0x3FA9]  }
0x29: {  	s4 =	sld [smem:$0x3FAB]  }
0x2a: {  	p0 =	seq.s32 s5, $0x0;
	s5 =	sld [smem:$0x3FAC]  }
0x2b: {  	s6 =	sld [smem:$0x3FAD]  }
0x2c: {  	s7 =	sld [smem:$0x3FAE]  }
0x2d: {  	s3 =	simm.s32 $0x108;
	s8 =	sld [smem:$0x3FAF]  }
0x2e: {  	s3 =	simm.s32 @!p0 $0x1082;
	s9 =	sld [smem:$0x3FB0]  }
0x2f: {  	lr =	sadd.s32 s0, s3;
	s0 =	sld [smem:$0x3FA7]  }
0x30: {  	s3 =	sld [smem:$0x3FAA]  }
0x31: {  	[smem:$0x3FB3] =	sst s10  }
0x32: {  	s10 =	sld [smem:$0x3FB1];
	_ =	sdelay $0x3  }
0x33: {  	p0 =	seq.s32 s10, $0x1;
	s10 =	sld [smem:$0x3FB3];
	_ =	sdelay $0x3  }
0x34: {  	[smem:$0x3FB3] =	sst s10  }
0x35: {  	s10 =	sld [smem:$0x3FB2];
	_ =	sdelay $0x3  }
0x36: {  	p1 =	seq.s32 s10, $0x1;
	s10 =	sld [smem:$0x3FB3];
	_ =	sdelay $0x3  }
0x37: {  	[smem:$0x3FB3] =	sst s10  }
0x38: {  	s10 =	sld [smem:$0x3FB4]  }
0x39: {  	_ = 	snop;
	(pc) =	sbr.ind lr, $3  }
0x3a: {  	_ = 	snop  }
0x3b: {  	_ = 	snop  }
0x3c: {  	p2 =	seq.s32 s10, $0x1;
	s10 =	sld [smem:$0x3FB3]  }
0x3d: {  	_ =	shalt  }
0x3e: {  	_ =	shalt  }
0x3f: {  	_ =	shalt  }
0x40: {  	_ =	shalt  }
0x41: {  	_ =	shalt  }
0x42: {  	_ =	shalt  }
0x43: {  	_ =	shalt  }
0x44: {  	_ =	shalt  }
0x45: {  	_ =	shalt  }
0x46: {  	_ =	shalt  }
0x47: {  	_ =	shalt  }
0x48: {  	_ =	shalt  }
0x49: {  	_ =	shalt  }
0x4a: {  	_ =	shalt  }
0x4b: {  	_ =	shalt  }
0x4c: {  	_ =	shalt  }
0x4d: {  	_ =	shalt  }
0x4e: {  	_ =	shalt  }
0x4f: {  	_ =	shalt  }
0x50: {  	_ =	shalt  }
0x51: {  	_ =	shalt  }
0x52: {  	_ =	shalt  }
0x53: {  	_ =	shalt  }
0x54: {  	_ =	shalt  }
0x55: {  	_ =	shalt  }
0x56: {  	_ =	shalt  }
0x57: {  	_ =	shalt  }
0x58: {  	_ =	shalt  }
0x59: {  	_ =	shalt  }
0x5a: {  	_ =	shalt  }
0x5b: {  	_ =	shalt  }
0x5c: {  	_ =	shalt  }
0x5d: {  	_ =	shalt  }
0x5e: {  	_ =	shalt  }
0x5f: {  	_ =	shalt  }
0x60: {  	_ =	shalt  }
0x61: {  	_ =	shalt  }
0x62: {  	_ =	shalt  }
0x63: {  	_ =	shalt  }
0x64: {  	_ =	shalt  }
0x65: {  	_ =	shalt  }
0x66: {  	_ =	shalt  }
0x67: {  	_ =	shalt  }
0x68: {  	_ =	shalt  }
0x69: {  	_ =	shalt  }
0x6a: {  	_ =	shalt  }
0x6b: {  	_ =	shalt  }
0x6c: {  	_ =	shalt  }
0x6d: {  	_ =	shalt  }
0x6e: {  	_ =	shalt  }
0x6f: {  	_ =	shalt  }
0x70: {  	_ =	shalt  }
0x71: {  	_ =	shalt  }
0x72: {  	_ =	shalt  }
0x73: {  	_ =	shalt  }
0x74: {  	_ =	shalt  }
0x75: {  	_ =	shalt  }
0x76: {  	_ =	shalt  }
0x77: {  	_ =	shalt  }
0x78: {  	_ =	shalt  }
0x79: {  	_ =	shalt  }
0x7a: {  	_ =	shalt  }
0x7b: {  	_ =	shalt  }
0x7c: {  	_ =	shalt  }
0x7d: {  	_ =	shalt  }
0x7e: {  	_ =	shalt  }
0x7f: {  	_ =	shalt  }
0x80: {  	_ =	shalt  }
0x81: {  	_ =	shalt  }
0x82: {  	_ =	shalt  }
0x83: {  	_ =	shalt  }
0x84: {  	_ =	shalt  }
0x85: {  	_ =	shalt  }
0x86: {  	_ =	shalt  }
0x87: {  	_ =	shalt  }
.Lfunc_end0:
.L_simem_size_0:
called_computation.2_lowered:
.L_overlay_start_0:
0x88: {  	s2 =	sld [smem:$0x3FD9]  }
0x89: {  	s3 =	sld [smem:$0x3FFE];
	_ =	sdelay $0x1  }
0x8a: {  	s1 =	srdreg.scid  }
0x8b: {  	s0 =	sand.u32 $0x1, s1  }
0x8c: {  	s16 =	sshll.u32 s0, $0xA;
	s2 =	sadd.s32 s3, s2  }
0x8d: {  	s2 =	sadd.s32 s2, s16  }
0x8e: {  	[smem:$0x3FBF] =	sst s2  }
0x8f: {  	_ = 	snop  }
0x90: {  	(tm) =	ssettm $0x1  }
0x91: {  	s17 =	sld [smem:$0x3FFB];
	_ =	sdelay $0x3  }
0x92: {  	_ =	strace s17  }
0x93: {  	s2 =	sld [smem:$0x3FFC];
	_ =	sdelay $0x3  }
0x94: {  	_ =	strace s2  }
0x95: {  	s2 =	sld [smem:$0x3FFD];
	_ =	sdelay $0x3  }
0x96: {  	_ =	strace s2  }
0x97: {  	_ =	strace $0x8FFFFFFF  }
0x98: {  	s18 =	sld [smem:$0x3FDB];
	_ =	sdelay $0x1  }
0x99: {  	s19 =	simm.s32 $_scs_section_size  }
0x9a: {  	s4 =	simm.s32 $_size__tile_overlayer_lowered;
	s5 =	simm.s32 $_tile_overlayer_lowered  }
0x9b: {  	s22 =	simm.s32 $0x1BFF;
	s21 =	sshll.u32 s5, $0x1;
	s2 =	sadd.s32 s19, s18  }
0x9c: {  	s6 =	simm.s32 $0x0;
	s20 =	sshll.u32 s4, $0x1;
	s4 =	sadd.s32 s21, s2  }
0x9d: {  	[timem:s6], [sflag:s22] =	dma.local [hbm:s4], s20  }
0x9e: {  	_ =	swait.ge [sflag:s22], s20  }
0x9f: {  	s3 =	ssub.s32 $0x0, s20;
	[sflag:s22] =	ssyncset.done $0x0  }
0xa0: {  	[sflag:s22] =	ssyncadd.s32 s3;
	_ =	sdelay $0x1  }
0xa1: {  	s23 =	simm.s32 $0x1B8B  }
0xa2: {  	_ =	swait.ge [sflag:s23], $0x1  }
0xa3: {  	[sflag:s23] =	ssyncset.done $0x0  }
0xa4: {  	s25 =	simm.s32 $0x1B8E;
	s24 =	sld [smem:$0x3FFE];
	[sflag:s23] =	ssyncadd.s32 $0xFFFFFFFF  }
0xa5: {  	s26 =	simm.s32 $execute0_lowered;
	[smem:$0x3FD2] =	sst s25  }
0xa6: {  	s4 =	sshll.u32 s26, $0x1;
	_ =	strace $0x8000004C;
	[dreg:$0x1] =	wrdreg $0xFFFFFFFF  }
0xa7: {  	s28 =	simm.s32 $_size_execute0_lowered;
	s2 =	sadd.s32 s2, s4;
	[dreg:$0x0] =	wrdreg $0x0  }
0xa8: {  	s4 =	sshll.u32 s28, $0x1;
	[dreg:$0x2] =	wrdreg s2  }
0xa9: {  	[dreg:$0x3] =	wrdreg s4  }
0xaa: {  	[dreg:$0x4] =	wrdreg $0xC0  }
0xab: {  	_ =	task [dreg:s6], $0x5FFFF  }
0xac: {  	[dreg:$0x1] =	wrdreg $0xFFFFFFFF  }
0xad: {  	[dreg:$0x0] =	wrdreg $0x60  }
0xae: {  	[dreg:$0x2] =	wrdreg s24  }
0xaf: {  	[dreg:$0x3] =	wrdreg $0xA0000  }
0xb0: {  	[dreg:$0x4] =	wrdreg $0x9  }
0xb1: {  	_ =	task.clear_ibuf [dreg:s6], $0x5FFFF;
	_ =	strace $0x9000004C  }
0xb2: {  	s29 =	simm.s32 $0x9;
	_ =	strace $0x8000004E  }
0xb3: {  	_ =	swait.ge [sflag:s29], $0x1  }
0xb4: {  	[sflag:s29] =	ssyncadd.s32 $0xFFFFFFFF  }
0xb5: {  	_ =	strace $0x9000004E  }
0xb6: {  	_ =	sfence  }
0xb7: {  	s30 =	sld [smem:$0x0];
	_ =	sdelay $0x2  }
0xb8: {  	s31 =	sshll.u32 s1, $0xD;
	s1 =	sshrl.u32 s1, $0x2  }
0xb9: {  	s3 =	sand.u32 $0x4000, s31;
	s1 =	sadd.s32 s1, s30  }
0xba: {  	s0 =	sor.u32 s3, s0;
	s1 =	sshll.u32 s1, $0x11  }
0xbb: {  	s0 =	sor.u32 s1, s0  }
0xbc: {  	s0 =	sadd.s32 $0x8F2B, s0  }
0xbd: {  	[sflag:s0] =	ssyncadd.remote.s32 $0x1  }
0xbe: {  	_ =	sfence.sel $0xFFFF  }
0xbf: {  	[dreg:$0x0] =	wrdreg $0xFFFFFFFF;
	(pc) =	sbr.abs _section_cstart, $3  }
0xc0: {  	[dreg:$0x1] =	wrdreg $0xFFFFFFFF  }
0xc1: {  	_ =	task.clear_ibuf [dreg:s6], $0x2FFFF;
	_ =	strace $0x9FFFFFFF  }
0xc2: {  	(tm) =	ssettm $0x7FFFFFFF  }
0xc3: {  	_ =	shalt  }
tec
execute0_lowered:
.L_overlay_start_1:
0x0: {  	(tag) =	ssettag $0x1  }
0x1: {  	s6 =	rddreg [dreg:$0x0];
	s1 =	srdreg.scid  }
0x2: {  	s0 =	stileid.u32;
	s2 =	rddreg [dreg:$0x1]  }
0x3: {  	s3 =	simm.s32 $0x0;
	s13 =	simm.s32 $0x80;
	s14 =	simm.s32 $0x6000  }
0x4: {  	s15 =	simm.s32 $0x1;
	s7 =	sand.u32 $0x1, s1;
	s1 =	rddreg [dreg:$0x2]  }
0x5: {  	s4 =	sshll.u32 s0, $0x1;
	[smem:$0x7FF] =	sst s3;
	s12 =	smul.u32 $0x4F000, s0  }
0x6: {  	s17 =	smul.u32 $0x2780, s0;
	s31 =	sshll.u32 s0, $0x6;
	s4 =	sor.u32 s7, s4  }
0x7: {  	_ =	strace $0x8000004D;
	s9 =	smul.u32 $0x27800, s7;
	s10 =	ssub.s32 $0x2, s7  }
0x8: {  	p0 =	seq.s32 s7, $0x0;
	s7 =	simm.s32 $0x5F;
	s5 =	smul.u32 $0x600, s4  }
0x9: {  	s4 =	sadd.s32 $0x2E400, s6;
	s11 =	sshrl.u32 s10, $0x1;
	s30 =	sshrl.u32 s12, $0x2  }
0xa: {  	s7 =	simm.s32 @!p0 $0x3E;
	s9 =	sadd.s32 s9, s6;
	s10 =	ssub.s32 s10, s11  }
0xb: {  	s12 =	sadd.s32 s30, s2;
	s11 =	sor.u32 $0x1C02, s31;
	s8 =	sadd.s32 s5, s6  }
0xc: {  	s5 =	sadd.s32 $0x2800, s6;
	s16 =	sadd.s32 $0x55C00, s9;
	s9 =	smax.u32 s10, $0x1  }
0xd: {  	s10 =	simm.s32 $0x2;
	s12 =	sshrl.u32 s12, $0x3;
	s6 =	sadd.s32 $0x16400, s8  }
0xe: {  	s8 =	sadd.s32 $0x22400, s8;
	s16 =	sadd.s32 s17, s16;
	s17 =	simm.s32 $0x0  }
.LBB2_1:
0xf: {  	[tilespmem:s3], [sflag:$0x2] =	stream.linear.gather [hbm4b:s6+s3], $0x2F80, $0x38;
	[tilespmem:$0x1DC00] =	vst v63  }
0x10: {  	_ =	swait.ge [sflag:s10], $0x2F80  }
0x11: {  	[sflag:s10] =	ssyncset.done $0x0  }
0x12: {  	s18 =	simm.s32 $0x3000;
	[sflag:s10] =	ssyncadd.s32 $0xFFFFD080  }
0x13: {  	[tilespmem:s18], [sflag:$0x2] =	stream.linear.gather [hbm4b:s8+s3], $0x2F80, $0x38;
	[tilespmem:$0x1DC00] =	vst v63  }
0x14: {  	_ =	swait.ge [sflag:s10], $0x2F80  }
0x15: {  	[sflag:s10] =	ssyncset.done $0x0  }
0x16: {  	[sflag:s10] =	ssyncadd.s32 $0xFFFFD080  }
0x17: {  	[spmem:s12], [sflag:s11] =	dma.local [hbm:s5], $0x2780  }
0x18: {  	_ =	swait.ge [sflag:s10], $0x2780  }
0x19: {  	[sflag:s10] =	ssyncset.done $0x0  }
0x1a: {  	[sflag:s10] =	ssyncadd.s32 $0xFFFFD880  }
0x1b: {  	[bflag:$0x0] =	sbarrier.arrive $0xFFFF  }
0x1c: {  	[tilespmem:s14], [sflag:$0x1] =	stream.indirect.gather [hbm4b:s4+s13], $0x80, s3, s13, $0xb8;
	[tilespmem:$0x1DC00] =	vst v63  }
0x1d: {  	p0 =	sne.s32 s7, $0x1;
	_ =	swait.ge [sflag:s15], $0x4000  }
.Ltmp0:
0x1e: {  	[sflag:s15] =	ssyncset.done $0x0;
	(pc) =	sbr.rel @!p0 .LBB2_3-.Ltmp0, $4  }
0x1f: {  	[sflag:s15] =	ssyncadd.s32 $0xFFFFC000  }
0x20: {  	[spmem:s2] =	stream.indirect.scatter.add.f32 [tilespmem:s14], [sflag:$0x2], $0x80, s18, s13, $0xb8;
	[tilespmem:$0x1DC00] =	vst v63  }
0x21: {  	_ =	swait.ge [sflag:s10], $0x4000  }
0x22: {  	s19 =	sadd.s32 $0xFFFFFFFF, s7;
	s20 =	simm.s32 $0x0;
	[sflag:s10] =	ssyncset.done $0x0  }
.LBB2_2:
0x23: {  	[sflag:s10] =	ssyncadd.s32 $0xFFFFC000;
	s20 =	sadd.s32 $0x80, s20;
	s18 =	sadd.s32 $0x80, s18  }
0x24: {  	[tilespmem:s14], [sflag:$0x1] =	stream.indirect.gather [hbm4b:s4+s13], $0x80, s20, s13, $0xb8;
	[tilespmem:$0x1DC00] =	vst v63  }
0x25: {  	p0 =	sne.s32 s19, $0x1;
	s19 =	sadd.s32 $0xFFFFFFFF, s19;
	_ =	swait.ge [sflag:s15], $0x4000  }
.Ltmp1:
0x26: {  	[sflag:s15] =	ssyncset.done $0x0;
	(pc) =	sbr.rel @p0 .LBB2_2-.Ltmp1, $4  }
0x27: {  	[sflag:s15] =	ssyncadd.s32 $0xFFFFC000  }
0x28: {  	[spmem:s2] =	stream.indirect.scatter.add.f32 [tilespmem:s14], [sflag:$0x2], $0x80, s18, s13, $0xb8;
	[tilespmem:$0x1DC00] =	vst v63  }
0x29: {  	_ =	swait.ge [sflag:s10], $0x4000  }
0x2a: {  	[sflag:s10] =	ssyncset.done $0x0  }
.LBB2_3:
0x2b: {  	s17 =	sadd.s32 $0x1, s17  }
0x2c: {  	[sflag:s10] =	ssyncadd.s32 $0xFFFFC000;
	p0 =	sne.s32 s17, s9  }
.Ltmp2:
0x2d: {  	[bflag:$0x0] =	sbarrier.arrive $0xFFFF;
	(pc) =	sbr.rel @p0 .LBB2_1-.Ltmp2, $4  }
0x2e: {  	[hbm:s16], [sflag:s11] =	dma.local [spmem:s12], $0x2780  }
0x2f: {  	_ =	swait.ge [sflag:s10], $0x2780  }
0x30: {  	[sflag:s10] =	ssyncset.done $0x0  }
0x31: {  	[sflag:s10] =	ssyncadd.s32 $0xFFFFD880  }
0x32: {  	_ =	sfence.sel $0x180000  }
0x33: {  	[bflag:$0x0] =	sbarrier.arrive $0xFFFF  }
0x34: {  	p0 =	sne.s32 s0, $0x0;
	_ =	strace $0x9000004D  }
0x35: {  	s0 =	sadd.s32 @!p0 $0x100000, s1;
	[bflag:$0x2] =	sbarrier.arrive $0xFFFF  }
0x36: {  	[sflag:s0] =	ssyncadd.tile.s32 @!p0 $0x1;
	_ =	shalt  }
.Lfunc_end2:
_tile_overlayer_lowered:
.L_overlay_start_2:
0x37: {  	(tag) =	ssettag $0x2  }
0x38: {  	s0 =	rddreg [dreg:$0x0];
	s2 =	stileid.u32  }
0x39: {  	s1 =	rddreg [dreg:$0x1];
	p0 =	sne.s32 s2, $0x0  }
0x3a: {  	s3 =	rddreg [dreg:$0x2];
	[bflag:$0x3] =	sbarrier.arrive $0xFFFF;
	s2 =	simm.s32 @!p0 $0x1C02  }
0x3b: {  	[timem:s3], [sflag:s2] =	dma.local @!p0 [hbm:s0], s1  }
0x3c: {  	s0 =	simm.s32 @!p0 $0x2  }
0x3d: {  	_ =	swait.ge @!p0 [sflag:s0], s1  }
0x3e: {  	s1 =	ssub.s32 @!p0 $0x0, s1;
	[sflag:s0] =	ssyncset.done @!p0 $0x0  }
0x3f: {  	[sflag:s0] =	ssyncadd.s32 @!p0 s1  }
0x40: {  	[bflag:$0x3] =	sbarrier.arrive $0xFFFF  }
0x41: {  	_ =	shalt  }

// kernel: kernel.8.cloned.1.call-start
scs
__scs_entry_jumppad:
0x0: {  	(pc) =	sbr.rel $0x88, $3  }
0x1: {  	(tag) =	ssettag $0x0;
	lr =	simm.s32 $0x1  }
0x2: {  	[smem:$0x3F98] =	sst lr;
	_ =	strace $0xD0000000  }
0x3: {  	_ = 	snop  }
0x4: {  	_ = 	snop  }
0x5: {  	_ = 	snop  }
0x6: {  	_ = 	snop  }
0x7: {  	_ = 	snop  }
__scs_overlays_trampoline_lowered:
0x8: {  	[smem:$0x3FA7] =	sst s0  }
0x9: {  	[smem:$0x3FA8] =	sst s1  }
0xa: {  	[smem:$0x3FA9] =	sst s2  }
0xb: {  	[smem:$0x3FAA] =	sst s3  }
0xc: {  	[smem:$0x3FAB] =	sst s4  }
0xd: {  	[smem:$0x3FAC] =	sst s5  }
0xe: {  	[smem:$0x3FAD] =	sst s6  }
0xf: {  	[smem:$0x3FAE] =	sst s7  }
0x10: {  	[smem:$0x3FAF] =	sst s8  }
0x11: {  	[smem:$0x3FB0] =	sst s9;
	s0 =	simm.s32 @!p0 $0x0  }
0x12: {  	s1 =	sld [smem:$0x3F96];
	s0 =	simm.s32 @p0 $0x1  }
0x13: {  	[smem:$0x3FB1] =	sst s0;
	s0 =	simm.s32 @!p1 $0x0  }
0x14: {  	s2 =	sld [smem:$0x3F95];
	s0 =	simm.s32 @p1 $0x1  }
0x15: {  	[smem:$0x3FB2] =	sst s0;
	s0 =	simm.s32 @!p2 $0x0  }
0x16: {  	s3 =	sld [smem:$0x3FDB];
	s0 =	simm.s32 @p2 $0x1  }
0x17: {  	s4 =	simm.s32 $0x1BF5;
	[smem:$0x3FB4] =	sst s0  }
0x18: {  	s0 =	sld [smem:$0x3F97];
	_ =	swait.ge [sflag:s4], $0x0  }
0x19: {  	s7 =	sld [smem:$0x3F98]  }
0x1a: {  	s8 =	sadd.s32 $0xFFFFE003, lr  }
0x1b: {  	s9 =	sadd.s32 $0xFFFFFEF7, lr;
	s5 =	simm.s32 $0xFFFFFFFF;
	p2 =	slt.u32 s8, $0xFFFFF086  }
0x1c: {  	p1 =	slt.u32 s9, $0xF7A;
	s5 =	simm.s32 @!p2 $0x0  }
0x1d: {  	s5 =	simm.s32 @p1 $0x1;
	p0 =	seq.s32 s7, s2  }
0x1e: {  	s7 =	smul.u32 @!p0 $0xF7A, s2;
	p2 =	seq.s32 @!p0 s5, $0x0  }
0x1f: {  	s9 =	smul.u32 $0xF7A, s1;
	s8 =	simm.s32 @!p0 $0x1BF5;
	p2 =	por !p2, p0  }
0x20: {  	[sflag:s8] =	ssyncset.s32 @!p0 $0xFFFFF086;
	s6 =	sadd.s32 @!p0 s3, s7;
	s7 =	simm.s32 @!p0 $0x108  }
0x21: {  	s3 =	sadd.s32 s3, s9;
	s6 =	sadd.s32 @!p0 $0x88, s6;
	s7 =	simm.s32 @p2 $0x1082  }
0x22: {  	[simem:s7], [sflag:s8] =	dma.local @!p0 [hbm:s6], $0xF7A  }
0x23: {  	s9 =	sor.u32 $0xD0000000, s2;
	s6 =	simm.s32 $0x108;
	_ =	swait.ge @!p0 [sflag:s8], $0x0  }
0x24: {  	s3 =	sadd.s32 $0x88, s3;
	s6 =	simm.s32 @!p1 $0x1082;
	[sflag:s4] =	ssyncset.s32 $0xFFFFF086  }
0x25: {  	[simem:s6], [sflag:s4] =	dma.local [hbm:s3], $0xF7A  }
0x26: {  	[smem:$0x3F98] =	sst s1;
	(tag) =	ssettag s2;
	_ =	strace s9  }
0x27: {  	s1 =	sld [smem:$0x3FA8]  }
0x28: {  	s2 =	sld [smem:$0x3FA9]  }
0x29: {  	s4 =	sld [smem:$0x3FAB]  }
0x2a: {  	p0 =	seq.s32 s5, $0x0;
	s5 =	sld [smem:$0x3FAC]  }
0x2b: {  	s6 =	sld [smem:$0x3FAD]  }
0x2c: {  	s7 =	sld [smem:$0x3FAE]  }
0x2d: {  	s3 =	simm.s32 $0x108;
	s8 =	sld [smem:$0x3FAF]  }
0x2e: {  	s3 =	simm.s32 @!p0 $0x1082;
	s9 =	sld [smem:$0x3FB0]  }
0x2f: {  	lr =	sadd.s32 s0, s3;
	s0 =	sld [smem:$0x3FA7]  }
0x30: {  	s3 =	sld [smem:$0x3FAA]  }
0x31: {  	[smem:$0x3FB3] =	sst s10  }
0x32: {  	s10 =	sld [smem:$0x3FB1];
	_ =	sdelay $0x3  }
0x33: {  	p0 =	seq.s32 s10, $0x1;
	s10 =	sld [smem:$0x3FB3];
	_ =	sdelay $0x3  }
0x34: {  	[smem:$0x3FB3] =	sst s10  }
0x35: {  	s10 =	sld [smem:$0x3FB2];
	_ =	sdelay $0x3  }
0x36: {  	p1 =	seq.s32 s10, $0x1;
	s10 =	sld [smem:$0x3FB3];
	_ =	sdelay $0x3  }
0x37: {  	[smem:$0x3FB3] =	sst s10  }
0x38: {  	s10 =	sld [smem:$0x3FB4]  }
0x39: {  	_ = 	snop;
	(pc) =	sbr.ind lr, $3  }
0x3a: {  	_ = 	snop  }
0x3b: {  	_ = 	snop  }
0x3c: {  	p2 =	seq.s32 s10, $0x1;
	s10 =	sld [smem:$0x3FB3]  }
0x3d: {  	_ =	shalt  }
0x3e: {  	_ =	shalt  }
0x3f: {  	_ =	shalt  }
0x40: {  	_ =	shalt  }
0x41: {  	_ =	shalt  }
0x42: {  	_ =	shalt  }
0x43: {  	_ =	shalt  }
0x44: {  	_ =	shalt  }
0x45: {  	_ =	shalt  }
0x46: {  	_ =	shalt  }
0x47: {  	_ =	shalt  }
0x48: {  	_ =	shalt  }
0x49: {  	_ =	shalt  }
0x4a: {  	_ =	shalt  }
0x4b: {  	_ =	shalt  }
0x4c: {  	_ =	shalt  }
0x4d: {  	_ =	shalt  }
0x4e: {  	_ =	shalt  }
0x4f: {  	_ =	shalt  }
0x50: {  	_ =	shalt  }
0x51: {  	_ =	shalt  }
0x52: {  	_ =	shalt  }
0x53: {  	_ =	shalt  }
0x54: {  	_ =	shalt  }
0x55: {  	_ =	shalt  }
0x56: {  	_ =	shalt  }
0x57: {  	_ =	shalt  }
0x58: {  	_ =	shalt  }
0x59: {  	_ =	shalt  }
0x5a: {  	_ =	shalt  }
0x5b: {  	_ =	shalt  }
0x5c: {  	_ =	shalt  }
0x5d: {  	_ =	shalt  }
0x5e: {  	_ =	shalt  }
0x5f: {  	_ =	shalt  }
0x60: {  	_ =	shalt  }
0x61: {  	_ =	shalt  }
0x62: {  	_ =	shalt  }
0x63: {  	_ =	shalt  }
0x64: {  	_ =	shalt  }
0x65: {  	_ =	shalt  }
0x66: {  	_ =	shalt  }
0x67: {  	_ =	shalt  }
0x68: {  	_ =	shalt  }
0x69: {  	_ =	shalt  }
0x6a: {  	_ =	shalt  }
0x6b: {  	_ =	shalt  }
0x6c: {  	_ =	shalt  }
0x6d: {  	_ =	shalt  }
0x6e: {  	_ =	shalt  }
0x6f: {  	_ =	shalt  }
0x70: {  	_ =	shalt  }
0x71: {  	_ =	shalt  }
0x72: {  	_ =	shalt  }
0x73: {  	_ =	shalt  }
0x74: {  	_ =	shalt  }
0x75: {  	_ =	shalt  }
0x76: {  	_ =	shalt  }
0x77: {  	_ =	shalt  }
0x78: {  	_ =	shalt  }
0x79: {  	_ =	shalt  }
0x7a: {  	_ =	shalt  }
0x7b: {  	_ =	shalt  }
0x7c: {  	_ =	shalt  }
0x7d: {  	_ =	shalt  }
0x7e: {  	_ =	shalt  }
0x7f: {  	_ =	shalt  }
0x80: {  	_ =	shalt  }
0x81: {  	_ =	shalt  }
0x82: {  	_ =	shalt  }
0x83: {  	_ =	shalt  }
0x84: {  	_ =	shalt  }
0x85: {  	_ =	shalt  }
0x86: {  	_ =	shalt  }
0x87: {  	_ =	shalt  }
.Lfunc_end0:
.L_simem_size_0:
called_computation_lowered:
.L_overlay_start_0:
0x88: {  	s2 =	sld [smem:$0x3FD9]  }
0x89: {  	s3 =	sld [smem:$0x3FFE];
	_ =	sdelay $0x1  }
0x8a: {  	s1 =	srdreg.scid  }
0x8b: {  	s0 =	sand.u32 $0x1, s1  }
0x8c: {  	s16 =	sshll.u32 s0, $0xA;
	s2 =	sadd.s32 s3, s2  }
0x8d: {  	s2 =	sadd.s32 s2, s16  }
0x8e: {  	[smem:$0x3FBF] =	sst s2  }
0x8f: {  	_ = 	snop  }
0x90: {  	(tm) =	ssettm $0x1  }
0x91: {  	s17 =	sld [smem:$0x3FFB];
	_ =	sdelay $0x3  }
0x92: {  	_ =	strace s17  }
0x93: {  	s2 =	sld [smem:$0x3FFC];
	_ =	sdelay $0x3  }
0x94: {  	_ =	strace s2  }
0x95: {  	s2 =	sld [smem:$0x3FFD];
	_ =	sdelay $0x3  }
0x96: {  	_ =	strace s2  }
0x97: {  	_ =	strace $0x8FFFFFFF  }
0x98: {  	s18 =	sld [smem:$0x3FDB];
	_ =	sdelay $0x1  }
0x99: {  	s19 =	simm.s32 $_scs_section_size  }
0x9a: {  	s4 =	simm.s32 $_size__tile_overlayer_lowered;
	s5 =	simm.s32 $_tile_overlayer_lowered  }
0x9b: {  	s22 =	simm.s32 $0x1BFF;
	s21 =	sshll.u32 s5, $0x1;
	s2 =	sadd.s32 s19, s18  }
0x9c: {  	s6 =	simm.s32 $0x0;
	s20 =	sshll.u32 s4, $0x1;
	s4 =	sadd.s32 s21, s2  }
0x9d: {  	[timem:s6], [sflag:s22] =	dma.local [hbm:s4], s20  }
0x9e: {  	_ =	swait.ge [sflag:s22], s20  }
0x9f: {  	s3 =	ssub.s32 $0x0, s20;
	[sflag:s22] =	ssyncset.done $0x0  }
0xa0: {  	[sflag:s22] =	ssyncadd.s32 s3;
	_ =	sdelay $0x1  }
0xa1: {  	s23 =	simm.s32 $0x1B8B  }
0xa2: {  	_ =	swait.ge [sflag:s23], $0x1  }
0xa3: {  	[sflag:s23] =	ssyncset.done $0x0  }
0xa4: {  	s25 =	simm.s32 $0x1B8E;
	s24 =	sld [smem:$0x3FFE];
	[sflag:s23] =	ssyncadd.s32 $0xFFFFFFFF  }
0xa5: {  	s26 =	simm.s32 $execute0_lowered;
	[smem:$0x3FD2] =	sst s25  }
0xa6: {  	s4 =	sshll.u32 s26, $0x1;
	_ =	strace $0x80000046;
	[dreg:$0x1] =	wrdreg $0xFFFFFFFF  }
0xa7: {  	s28 =	simm.s32 $_size_execute0_lowered;
	s2 =	sadd.s32 s2, s4;
	[dreg:$0x0] =	wrdreg $0x0  }
0xa8: {  	s4 =	sshll.u32 s28, $0x1;
	[dreg:$0x2] =	wrdreg s2  }
0xa9: {  	[dreg:$0x3] =	wrdreg s4  }
0xaa: {  	[dreg:$0x4] =	wrdreg $0xC0  }
0xab: {  	_ =	task [dreg:s6], $0x5FFFF  }
0xac: {  	[dreg:$0x1] =	wrdreg $0xFFFFFFFF  }
0xad: {  	[dreg:$0x0] =	wrdreg $0x60  }
0xae: {  	[dreg:$0x2] =	wrdreg s24  }
0xaf: {  	[dreg:$0x3] =	wrdreg $0x9  }
0xb0: {  	_ =	task.clear_ibuf [dreg:s6], $0x4FFFF;
	_ =	strace $0x90000046  }
0xb1: {  	s29 =	simm.s32 $0x9;
	_ =	strace $0x80000048  }
0xb2: {  	_ =	swait.ge [sflag:s29], $0x1  }
0xb3: {  	[sflag:s29] =	ssyncadd.s32 $0xFFFFFFFF  }
0xb4: {  	_ =	strace $0x90000048  }
0xb5: {  	_ =	sfence  }
0xb6: {  	s30 =	sld [smem:$0x0];
	_ =	sdelay $0x2  }
0xb7: {  	s31 =	sshll.u32 s1, $0xD;
	s1 =	sshrl.u32 s1, $0x2  }
0xb8: {  	s3 =	sand.u32 $0x4000, s31;
	s1 =	sadd.s32 s1, s30  }
0xb9: {  	s0 =	sor.u32 s3, s0;
	s1 =	sshll.u32 s1, $0x11  }
0xba: {  	s0 =	sor.u32 s1, s0  }
0xbb: {  	s0 =	sadd.s32 $0x8F2B, s0  }
0xbc: {  	[sflag:s0] =	ssyncadd.remote.s32 $0x1  }
0xbd: {  	_ =	sfence.sel $0xFFFF  }
0xbe: {  	[dreg:$0x0] =	wrdreg $0xFFFFFFFF;
	(pc) =	sbr.abs _section_cstart, $3  }
0xbf: {  	[dreg:$0x1] =	wrdreg $0xFFFFFFFF  }
0xc0: {  	_ =	task.clear_ibuf [dreg:s6], $0x2FFFF;
	_ =	strace $0x9FFFFFFF  }
0xc1: {  	(tm) =	ssettm $0x7FFFFFFF  }
tec
execute0_lowered:
.L_overlay_start_1:
0x0: {  	(tag) =	ssettag $0x1  }
0x1: {  	s1 =	srdreg.scid  }
0x2: {  	s0 =	stileid.u32;
	s5 =	rddreg [dreg:$0x0];
	s7 =	simm.s32 $0x400  }
0x3: {  	s8 =	simm.s32 $0x1;
	s9 =	simm.s32 $0x2780;
	s10 =	simm.s32 $0x0  }
0x4: {  	s3 =	sand.u32 $0x1, s1;
	s29 =	sshrl.u32 s0, $0x2;
	s2 =	sshll.u32 s0, $0x8  }
0x5: {  	s4 =	smul.u32 $0x13C00, s29;
	s30 =	sshll.u32 s3, $0x7;
	s2 =	sand.u32 $0x300, s2  }
0x6: {  	s1 =	rddreg [dreg:$0x1];
	s3 =	ssub.s32 $0x2, s3;
	s6 =	sor.u32 s30, s2  }
0x7: {  	s2 =	simm.s32 $0x0;
	s31 =	sshrl.u32 s3, $0x1;
	s4 =	sor.u32 s4, s6  }
0x8: {  	[smem:$0x7FF] =	sst s2;
	s6 =	simm.s32 $0x80;
	s4 =	sshrl.u32 s4, $0x3  }
0x9: {  	_ =	strace $0x80000047;
	s4 =	sadd.s32 s4, s5;
	s5 =	ssub.s32 s3, s31  }
0xa: {  	v0 =	vimm.f32 $0.0e+00;
	v1 =	vimm.f32 $1.000000000e+00;
	s3 =	sadd.s32 $0x2800, s4;
	s4 =	sadd.s32 $0xC600, s4;
	s5 =	smax.u32 s5, $0x1  }
.LBB2_1:
0xb: {  	[tilespmem:s2], [sflag:$0x1] =	stream.strided.gather [hbm4b:s3+s6], $0x2780, s7, s6, $0x38;
	[tilespmem:$0x4F00] =	vst v63  }
0xc: {  	_ =	swait.ge [sflag:s8], $0x2780  }
0xd: {  	[sflag:s8] =	ssyncset.done $0x0  }
0xe: {  	s11 =	simm.s32 $0x0;
	[sflag:s8] =	ssyncadd.s32 $0xFFFFD880  }
.LBB2_2:
0xf: {  	p0 =	sne.s32 s11, $0x9DC0  }
.Ltmp0:
0x10: {  	_ = 	snop;
	(pc) =	sbr.rel @p0 .LBB2_2-.Ltmp0, $3  }
0x11: {  	_ =	sdelay $0x1  }
0x12: {  	s12 =	sshra.s32 s11, $0x2  }
0x13: {  	s11 =	sadd.s32 $0x40, s11;
	[tilespmem:s12+$0x2780] =	vst v0  }
0x14: {  	s12 =	simm.s32 $0x0;
	s11 =	simm.s32 $0x40  }
.LBB2_4:
0x15: {  	p0 =	sne.s32 s11, $0x9DC0;
	v2 =	vld [tilespmem:s12+$0x0];
	_ =	sdelay $0x3  }
.Ltmp1:
0x16: {  	(pc) =	sbr.rel @p0 .LBB2_4-.Ltmp1, $2  }
0x17: {  	_ =	sdelay $0x2  }
0x18: {  	s12 =	sshra.s32 s11, $0x2;
	s11 =	sadd.s32 $0x40, s11;
	[tilespmem:v2+s9+$0x0] =	vst.idx.add.f32.msk $0xffff, v1  }
0x19: {  	v2 =	vld [tilespmem:s12+$0x0];
	_ =	sdelay $0x5  }
0x1a: {  	s10 =	sadd.s32 $0x1, s10  }
0x1b: {  	p0 =	sne.s32 s10, s5  }
.Ltmp2:
0x1c: {  	[tilespmem:v2+s9+$0x0] =	vst.idx.add.f32.msk $0xffff, v1;
	(pc) =	sbr.rel @p0 .LBB2_1-.Ltmp2, $4  }
0x1d: {  	[hbm4b:s4+s6] =	stream.strided.scatter [tilespmem:s9], [sflag:$0x1], $0x2780, s7, s6, $0x38;
	[tilespmem:$0x4F00] =	vst v63  }
0x1e: {  	_ =	swait.ge [sflag:s8], $0x2780  }
0x1f: {  	[sflag:s8] =	ssyncset.done $0x0  }
0x20: {  	[sflag:s8] =	ssyncadd.s32 $0xFFFFD880  }
0x21: {  	_ =	sfence.sel $0x180000  }
0x22: {  	[bflag:$0x0] =	sbarrier.arrive $0xFFFF  }
0x23: {  	p0 =	sne.s32 s0, $0x0;
	_ =	strace $0x90000047  }
0x24: {  	s0 =	sadd.s32 @!p0 $0x100000, s1;
	[bflag:$0x2] =	sbarrier.arrive $0xFFFF  }
0x25: {  	[sflag:s0] =	ssyncadd.tile.s32 @!p0 $0x1;
	_ =	shalt  }
.Lfunc_end2:
_tile_overlayer_lowered:
.L_overlay_start_2:
0x26: {  	(tag) =	ssettag $0x2  }
0x27: {  	s0 =	rddreg [dreg:$0x0];
	s2 =	stileid.u32  }
0x28: {  	s1 =	rddreg [dreg:$0x1];
	p0 =	sne.s32 s2, $0x0  }
0x29: {  	s3 =	rddreg [dreg:$0x2];
	[bflag:$0x3] =	sbarrier.arrive $0xFFFF;
	s2 =	simm.s32 @!p0 $0x1C01  }
0x2a: {  	[timem:s3], [sflag:s2] =	dma.local @!p0 [hbm:s0], s1  }
0x2b: {  	s0 =	simm.s32 @!p0 $0x1  }
0x2c: {  	_ =	swait.ge @!p0 [sflag:s0], s1  }
0x2d: {  	s1 =	ssub.s32 @!p0 $0x0, s1;
	[sflag:s0] =	ssyncset.done @!p0 $0x0  }
0x2e: {  	[sflag:s0] =	ssyncadd.s32 @!p0 s1  }
0x2f: {  	[bflag:$0x3] =	sbarrier.arrive $0xFFFF  }
0x30: {  	_ =	shalt  }

</sc_bundles>
